<compile_context>
chip_gen: v7x
topology: tpu7x:2x2x1
jax: 0.10.2.dev20260603
libtpu: 0.0.44.dev20260713+nightly
codegen_flags: <defaults>
</compile_context>

<pallas_src>
import numpy as np
import jax
import jax.numpy as jnp
from jax.experimental import pallas as pl

_V_PATCH = (1, 2, 3, 4, 5, 6, 8, 10, 13, 16)
_RATIO = 0.5
_BETA = 0.25
_K = 8192
_Bb, _Tt, _Hh, _Ww, _Cc = 8, 4, 16, 16, 32
_SN = len(_V_PATCH)
_BLK = 256
_DEF = jax.lax.Precision.DEFAULT


def _phi_k(si):
    k = 4
    ticks = np.linspace(1.0 / 3 / k, 1 - 1.0 / 3 / k, k)
    return int(np.argmin(np.abs(ticks - si / (_SN - 1))))


_KK = tuple(_phi_k(si) for si in range(_SN))


def _dist_body(rest_ref, rest2_ref, embT_ref, embsq_ref, idx_ref):
    blk = rest_ref[...]
    scores = jnp.dot(blk, embT_ref[...], precision=_DEF)
    d = (rest2_ref[...] + embsq_ref[...]) - 2.0 * scores
    ii = jnp.argmin(d, axis=1).astype(jnp.int32)
    idx_ref[...] = ii.reshape(_BLK, 1)


def _nearest(rest_nc, embT, embsq):
    n = rest_nc.shape[0]
    npad = 2048 if n <= 2048 else 8192
    rest2 = jnp.sum(rest_nc * rest_nc, axis=1, keepdims=True)
    restP = jnp.pad(rest_nc, ((0, npad - n), (0, 0)))
    rest2P = jnp.pad(rest2, ((0, npad - n), (0, 0)))
    grid = (npad // _BLK,)
    idx = pl.pallas_call(
        _dist_body,
        grid=grid,
        in_specs=[pl.BlockSpec((_BLK, _Cc), lambda i: (i, 0)),
                  pl.BlockSpec((_BLK, 1), lambda i: (i, 0)),
                  pl.BlockSpec((_Cc, _K), lambda i: (0, 0)),
                  pl.BlockSpec((1, _K), lambda i: (0, 0))],
        out_specs=pl.BlockSpec((_BLK, 1), lambda i: (i, 0)),
        out_shape=jax.ShapeDtypeStruct((npad, 1), jnp.int32),
    )(restP, rest2P, embT, embsq)
    return idx[:n, 0]


def kernel(f_BCThw, emb, phi_w, phi_b):
    f = f_BCThw.astype(jnp.float32)
    embT = emb.T
    embsq = jnp.sum(emb * emb, axis=1).reshape(1, _K)

    f_rest = f
    f_hat = jnp.zeros_like(f)
    loss = jnp.float32(0.0)
    idx_list = []
    ratio = abs(_RATIO)
    for si, pn in enumerate(_V_PATCH):
        if si != _SN - 1:
            rest = jax.image.resize(f_rest, (_Bb, _Cc, _Tt, pn, pn),
                                    method='trilinear')
        else:
            rest = f_rest
        rest_nc = jnp.transpose(rest, (0, 2, 3, 4, 1)).reshape(-1, _Cc)
        idx_nt = _nearest(rest_nc, embT, embsq)
        idx_bthw = idx_nt.reshape(_Bb, _Tt, pn, pn)
        idx_list.append(idx_bthw)
        h = jnp.transpose(jnp.take(emb, idx_bthw, axis=0), (0, 4, 1, 2, 3))
        if si != _SN - 1:
            h = jax.image.resize(h, (_Bb, _Cc, _Tt, _Hh, _Ww),
                                 method='trilinear')
        kk = _KK[si]
        y = jax.lax.conv_general_dilated(
            h, phi_w[kk], window_strides=(1, 1, 1),
            padding=((0, 0), (1, 1), (1, 1)),
            dimension_numbers=('NCDHW', 'OIDHW', 'NCDHW'))
        y = y + phi_b[kk].reshape(1, -1, 1, 1, 1)
        h = h * (1 - ratio) + y * ratio
        f_hat = f_hat + h
        f_rest = f_rest - h
        loss = loss + jnp.mean((f_hat - f) ** 2) * _BETA + jnp.mean((f_hat - f) ** 2)
    loss = loss * (1.0 / _SN)
    return (f_hat, loss) + tuple(idx_list)

# --- scband reference (transcript-rebuilt; emitter-appended) ---
"""Pipeline reference for scband-vector-quantizer2-7481833030165 (READ-ONLY COPY).

The authoritative reference and input builder live on the scoring server;
editing this copy changes nothing except your own understanding.
"""

import jax, jax.numpy as jnp
import numpy as np

VOCAB = 8192
CVAE = 32
V_PATCH_NUMS = (1, 2, 3, 4, 5, 6, 8, 10, 13, 16)
QUANT_RESI = 0.5
SHARE_K = 4
BETA = 0.25
B, T, HH, WW = 8, 4, 16, 16


def _phi_index(si, SN, K):
    ticks = np.linspace(1.0 / 3 / K, 1 - 1.0 / 3 / K, K) if K == 4 else np.linspace(1.0 / 2 / K, 1 - 1.0 / 2 / K, K)
    return int(np.argmin(np.abs(ticks - si / (SN - 1))))


def _phi_apply(h, w, b, ratio):
    # Phi: Conv3d(C, C, kernel=(1,3,3), padding=(0,1,1)), residual mix
    y = jax.lax.conv_general_dilated(
        h, w, window_strides=(1, 1, 1),
        padding=((0, 0), (1, 1), (1, 1)),
        dimension_numbers=('NCDHW', 'OIDHW', 'NCDHW'))
    y = y + b.reshape(1, -1, 1, 1, 1)
    return h * (1 - ratio) + y * ratio


def setup_inputs(seed: int = 0) -> dict:
    key = jax.random.key(seed)
    k1, k2, k3, k4 = jax.random.split(key, 4)
    f = jax.random.normal(k1, (B, CVAE, T, HH, WW), dtype=jnp.float32)
    emb = jax.random.normal(k2, (VOCAB, CVAE), dtype=jnp.float32) * 0.5
    phi_w = jax.random.normal(k3, (SHARE_K, CVAE, CVAE, 1, 3, 3), dtype=jnp.float32) * 0.05
    phi_b = jax.random.normal(k4, (SHARE_K, CVAE), dtype=jnp.float32) * 0.01
    return {'f_BCThw': f, 'emb': emb, 'phi_w': phi_w, 'phi_b': phi_b}


def reference(f_BCThw, emb, phi_w, phi_b):
    f = f_BCThw.astype(jnp.float32)
    Bb, C, Tt, H, W = f.shape
    SN = len(V_PATCH_NUMS)
    f_no_grad = jax.lax.stop_gradient(f)
    f_rest = f_no_grad
    f_hat = jnp.zeros_like(f_rest)
    mean_vq_loss = jnp.float32(0.0)
    idx_list = []
    ratio = abs(QUANT_RESI)
    for si, pn in enumerate(V_PATCH_NUMS):
        if si != SN - 1:
            rest = jax.image.resize(f_rest, (Bb, C, Tt, pn, pn), method='trilinear')
        else:
            rest = f_rest
        rest_NC = jnp.transpose(rest, (0, 2, 3, 4, 1)).reshape(-1, C)
        emb_ng = jax.lax.stop_gradient(emb)
        d = jnp.sum(rest_NC * rest_NC, axis=1, keepdims=True) + jnp.sum(emb_ng * emb_ng, axis=1) - 2.0 * (rest_NC @ emb_ng.T)
        idx_NT = jnp.argmin(d, axis=1)
        idx_BThw = idx_NT.reshape(Bb, Tt, pn, pn)
        # embedding lookup (gradients flow to emb, like nn.Embedding)
        h = jnp.transpose(jnp.take(emb, idx_BThw, axis=0), (0, 4, 1, 2, 3))
        if si != SN - 1:
            h = jax.image.resize(h, (Bb, C, Tt, H, W), method='trilinear')
        kk = _phi_index(si, SN, SHARE_K)
        h = _phi_apply(h, phi_w[kk], phi_b[kk], ratio)
        f_hat = f_hat + h
        f_rest = f_rest - h
        idx_list.append(idx_BThw)
        mean_vq_loss = mean_vq_loss + jnp.mean((jax.lax.stop_gradient(f_hat) - f) ** 2) * BETA + jnp.mean((f_hat - f_no_grad) ** 2)
    mean_vq_loss = mean_vq_loss * (1.0 / SN)
    f_hat_out = jax.lax.stop_gradient(f_hat) - f_no_grad + f
    return (f_hat_out, mean_vq_loss) + tuple(idx_list)

if __name__ == "__main__":
    import jax
    _d = setup_inputs()
    print(jax.jit(kernel)(*tuple(_d.values())))

</pallas_src>

<mosaic_0001>
module attributes {stable_mosaic.version = 14 : i64} {
  func.func @_dist_body(%arg0: i32, %arg1: memref<256x32xf32, #tpu.memory_space<vmem>>, %arg2: memref<256x1xf32, #tpu.memory_space<vmem>>, %arg3: memref<32x8192xf32, #tpu.memory_space<vmem>>, %arg4: memref<1x8192xf32, #tpu.memory_space<vmem>>, %arg5: memref<256x1xi32, #tpu.memory_space<vmem>>) attributes {dimension_semantics = [#tpu.dimension_semantics<arbitrary>], iteration_bounds = array<i64: 8>, scalar_prefetch = 0 : i64, scratch_operands = 0 : i64, tpu.core_type = #tpu.core_type<tc>, window_params = [{transform_indices = @transform_0, window_bounds = array<i64: 256, 32>}, {transform_indices = @transform_1, window_bounds = array<i64: 256, 1>}, {pipeline_mode = #tpu.pipeline_mode<synchronous>, transform_indices = @transform_2, window_bounds = array<i64: 32, 8192>}, {pipeline_mode = #tpu.pipeline_mode<synchronous>, transform_indices = @transform_3, window_bounds = array<i64: 1, 8192>}, {transform_indices = @transform_4, window_bounds = array<i64: 256, 1>}]} {
    %get3A = arith.constant 0 : index
    %get3A_0 = arith.constant 0 : index
    %get3A_1 = vector.load %arg1[%get3A, %get3A_0] : memref<256x32xf32, #tpu.memory_space<vmem>>, vector<256x32xf32>
    %get3A_2 = arith.constant 0 : index
    %get3A_3 = arith.constant 0 : index
    %get3A_4 = vector.load %arg3[%get3A_2, %get3A_3] : memref<32x8192xf32, #tpu.memory_space<vmem>>, vector<32x8192xf32>
    %dot_general3A = arith.constant dense<0.000000e+00> : vector<256x8192xf32>
    %dot_general3A_5 = tpu.matmul %get3A_1, %get3A_4, %dot_general3A {dimension_numbers = #tpu.dot_dimension_numbers<[1], [0], [0], [1], [0, 0, 1, 1], [], []>, transpose_lhs_hint = false} : vector<256x32xf32>, vector<32x8192xf32>, vector<256x8192xf32> -> vector<256x8192xf32>
    %get3A_6 = arith.constant 0 : index
    %get3A_7 = arith.constant 0 : index
    %get3A_8 = vector.load %arg2[%get3A_6, %get3A_7] : memref<256x1xf32, #tpu.memory_space<vmem>>, vector<256x1xf32>
    %get3A_9 = arith.constant 0 : index
    %get3A_10 = arith.constant 0 : index
    %get3A_11 = vector.load %arg4[%get3A_9, %get3A_10] : memref<1x8192xf32, #tpu.memory_space<vmem>>, vector<1x8192xf32>
    %add3A = vector.broadcast %get3A_8 : vector<256x1xf32> to vector<256x8192xf32>
    %add3A_12 = vector.broadcast %get3A_11 : vector<1x8192xf32> to vector<256x8192xf32>
    %add3A_13 = arith.addf %add3A, %add3A_12 : vector<256x8192xf32>
    %mul3A = arith.constant 2.000000e+00 : f32
    %mul3A_14 = vector.broadcast %mul3A : f32 to vector<256x8192xf32>
    %mul3A_15 = arith.mulf %mul3A_14, %dot_general3A_5 : vector<256x8192xf32>
    %sub3A = arith.subf %add3A_13, %mul3A_15 : vector<256x8192xf32>
    %argmin3A = tpu.reduce_index %sub3A {axis = 1 : i32, kind = #tpu.reduction_kind<arg_min>} : vector<256x8192xf32> -> vector<256xi32>
    %reshape3A = vector.shape_cast %argmin3A : vector<256xi32> to vector<256x1xi32>
    %swap3A = arith.constant 0 : index
    %swap3A_16 = arith.constant 0 : index
    %swap3A_17 = vector.load %arg5[%swap3A, %swap3A_16] : memref<256x1xi32, #tpu.memory_space<vmem>>, vector<256x1xi32>
    tpu.vector_store %arg5[%swap3A, %swap3A_16], %reshape3A {strides = array<i32>} : memref<256x1xi32, #tpu.memory_space<vmem>>, vector<256x1xi32>,
    return
  }
  func.func @transform_0(%arg0: i32) -> (i32, i32) {
    %c0_i32 = arith.constant 0 : i32
    %c0_i32_0 = arith.constant 0 : i32
    return %arg0, %c0_i32 : i32, i32
  }
  func.func @transform_1(%arg0: i32) -> (i32, i32) {
    %c0_i32 = arith.constant 0 : i32
    %c0_i32_0 = arith.constant 0 : i32
    return %arg0, %c0_i32 : i32, i32
  }
  func.func @transform_2(%arg0: i32) -> (i32, i32) {
    %c0_i32 = arith.constant 0 : i32
    %c0_i32_0 = arith.constant 0 : i32
    %c0_i32_1 = arith.constant 0 : i32
    return %c0_i32, %c0_i32_0 : i32, i32
  }
  func.func @transform_3(%arg0: i32) -> (i32, i32) {
    %c0_i32 = arith.constant 0 : i32
    %c0_i32_0 = arith.constant 0 : i32
    %c0_i32_1 = arith.constant 0 : i32
    return %c0_i32, %c0_i32_0 : i32, i32
  }
  func.func @transform_4(%arg0: i32) -> (i32, i32) {
    %c0_i32 = arith.constant 0 : i32
    %c0_i32_0 = arith.constant 0 : i32
    return %arg0, %c0_i32 : i32, i32
  }
}

module attributes {stable_mosaic.version = 14 : i64} {
  func.func @_dist_body(%arg0: i32, %arg1: memref<256x32xf32, #tpu.memory_space<vmem>>, %arg2: memref<256x1xf32, #tpu.memory_space<vmem>>, %arg3: memref<32x8192xf32, #tpu.memory_space<vmem>>, %arg4: memref<1x8192xf32, #tpu.memory_space<vmem>>, %arg5: memref<256x1xi32, #tpu.memory_space<vmem>>) attributes {dimension_semantics = [#tpu.dimension_semantics<arbitrary>], iteration_bounds = array<i64: 32>, scalar_prefetch = 0 : i64, scratch_operands = 0 : i64, tpu.core_type = #tpu.core_type<tc>, window_params = [{transform_indices = @transform_0, window_bounds = array<i64: 256, 32>}, {transform_indices = @transform_1, window_bounds = array<i64: 256, 1>}, {pipeline_mode = #tpu.pipeline_mode<synchronous>, transform_indices = @transform_2, window_bounds = array<i64: 32, 8192>}, {pipeline_mode = #tpu.pipeline_mode<synchronous>, transform_indices = @transform_3, window_bounds = array<i64: 1, 8192>}, {transform_indices = @transform_4, window_bounds = array<i64: 256, 1>}]} {
    %get3A = arith.constant 0 : index
    %get3A_0 = arith.constant 0 : index
    %get3A_1 = vector.load %arg1[%get3A, %get3A_0] : memref<256x32xf32, #tpu.memory_space<vmem>>, vector<256x32xf32>
    %get3A_2 = arith.constant 0 : index
    %get3A_3 = arith.constant 0 : index
    %get3A_4 = vector.load %arg3[%get3A_2, %get3A_3] : memref<32x8192xf32, #tpu.memory_space<vmem>>, vector<32x8192xf32>
    %dot_general3A = arith.constant dense<0.000000e+00> : vector<256x8192xf32>
    %dot_general3A_5 = tpu.matmul %get3A_1, %get3A_4, %dot_general3A {dimension_numbers = #tpu.dot_dimension_numbers<[1], [0], [0], [1], [0, 0, 1, 1], [], []>, transpose_lhs_hint = false} : vector<256x32xf32>, vector<32x8192xf32>, vector<256x8192xf32> -> vector<256x8192xf32>
    %get3A_6 = arith.constant 0 : index
    %get3A_7 = arith.constant 0 : index
    %get3A_8 = vector.load %arg2[%get3A_6, %get3A_7] : memref<256x1xf32, #tpu.memory_space<vmem>>, vector<256x1xf32>
    %get3A_9 = arith.constant 0 : index
    %get3A_10 = arith.constant 0 : index
    %get3A_11 = vector.load %arg4[%get3A_9, %get3A_10] : memref<1x8192xf32, #tpu.memory_space<vmem>>, vector<1x8192xf32>
    %add3A = vector.broadcast %get3A_8 : vector<256x1xf32> to vector<256x8192xf32>
    %add3A_12 = vector.broadcast %get3A_11 : vector<1x8192xf32> to vector<256x8192xf32>
    %add3A_13 = arith.addf %add3A, %add3A_12 : vector<256x8192xf32>
    %mul3A = arith.constant 2.000000e+00 : f32
    %mul3A_14 = vector.broadcast %mul3A : f32 to vector<256x8192xf32>
    %mul3A_15 = arith.mulf %mul3A_14, %dot_general3A_5 : vector<256x8192xf32>
    %sub3A = arith.subf %add3A_13, %mul3A_15 : vector<256x8192xf32>
    %argmin3A = tpu.reduce_index %sub3A {axis = 1 : i32, kind = #tpu.reduction_kind<arg_min>} : vector<256x8192xf32> -> vector<256xi32>
    %reshape3A = vector.shape_cast %argmin3A : vector<256xi32> to vector<256x1xi32>
    %swap3A = arith.constant 0 : index
    %swap3A_16 = arith.constant 0 : index
    %swap3A_17 = vector.load %arg5[%swap3A, %swap3A_16] : memref<256x1xi32, #tpu.memory_space<vmem>>, vector<256x1xi32>
    tpu.vector_store %arg5[%swap3A, %swap3A_16], %reshape3A {strides = array<i32>} : memref<256x1xi32, #tpu.memory_space<vmem>>, vector<256x1xi32>,
    return
  }
  func.func @transform_0(%arg0: i32) -> (i32, i32) {
    %c0_i32 = arith.constant 0 : i32
    %c0_i32_0 = arith.constant 0 : i32
    return %arg0, %c0_i32 : i32, i32
  }
  func.func @transform_1(%arg0: i32) -> (i32, i32) {
    %c0_i32 = arith.constant 0 : i32
    %c0_i32_0 = arith.constant 0 : i32
    return %arg0, %c0_i32 : i32, i32
  }
  func.func @transform_2(%arg0: i32) -> (i32, i32) {
    %c0_i32 = arith.constant 0 : i32
    %c0_i32_0 = arith.constant 0 : i32
    %c0_i32_1 = arith.constant 0 : i32
    return %c0_i32, %c0_i32_0 : i32, i32
  }
  func.func @transform_3(%arg0: i32) -> (i32, i32) {
    %c0_i32 = arith.constant 0 : i32
    %c0_i32_0 = arith.constant 0 : i32
    %c0_i32_1 = arith.constant 0 : i32
    return %c0_i32, %c0_i32_0 : i32, i32
  }
  func.func @transform_4(%arg0: i32) -> (i32, i32) {
    %c0_i32 = arith.constant 0 : i32
    %c0_i32_0 = arith.constant 0 : i32
    return %arg0, %c0_i32 : i32, i32
  }
}

</mosaic_0001>

<sc_bundles>
// kernel: gather_offload_async_start.1
scs
__scs_entry_jumppad:
0x0: {  	(pc) =	sbr.rel $0x88, $3  }
0x1: {  	(tag) =	ssettag $0x0;
	lr =	simm.s32 $0x1  }
0x2: {  	[smem:$0x3F9D] =	sst lr;
	_ =	strace $0xD0000000  }
0x3: {  	_ = 	snop  }
0x4: {  	_ = 	snop  }
0x5: {  	_ = 	snop  }
0x6: {  	_ = 	snop  }
0x7: {  	_ = 	snop  }
__scs_overlays_trampoline_lowered:
0x8: {  	[smem:$0x3FAC] =	sst s0  }
0x9: {  	[smem:$0x3FAD] =	sst s1  }
0xa: {  	[smem:$0x3FAE] =	sst s2  }
0xb: {  	[smem:$0x3FAF] =	sst s3  }
0xc: {  	[smem:$0x3FB0] =	sst s4  }
0xd: {  	[smem:$0x3FB1] =	sst s5  }
0xe: {  	[smem:$0x3FB2] =	sst s6  }
0xf: {  	[smem:$0x3FB3] =	sst s7  }
0x10: {  	[smem:$0x3FB4] =	sst s8  }
0x11: {  	[smem:$0x3FB5] =	sst s9;
	s0 =	simm.s32 @!p0 $0x0  }
0x12: {  	s1 =	sld [smem:$0x3F9B];
	s0 =	simm.s32 @p0 $0x1  }
0x13: {  	[smem:$0x3FB6] =	sst s0;
	s0 =	simm.s32 @!p1 $0x0  }
0x14: {  	s2 =	sld [smem:$0x3F9A];
	s0 =	simm.s32 @p1 $0x1  }
0x15: {  	[smem:$0x3FB7] =	sst s0;
	s0 =	simm.s32 @!p2 $0x0  }
0x16: {  	s3 =	sld [smem:$0x3FDB];
	s0 =	simm.s32 @p2 $0x1  }
0x17: {  	s4 =	simm.s32 $0x1BF5;
	[smem:$0x3FB9] =	sst s0  }
0x18: {  	s0 =	sld [smem:$0x3F9C];
	_ =	swait.ge [sflag:s4], $0x0  }
0x19: {  	s7 =	sld [smem:$0x3F9D]  }
0x1a: {  	s8 =	sadd.s32 $0xFFFFE003, lr  }
0x1b: {  	s9 =	sadd.s32 $0xFFFFFEF7, lr;
	s5 =	simm.s32 $0xFFFFFFFF;
	p2 =	slt.u32 s8, $0xFFFFF086  }
0x1c: {  	p1 =	slt.u32 s9, $0xF7A;
	s5 =	simm.s32 @!p2 $0x0  }
0x1d: {  	s5 =	simm.s32 @p1 $0x1;
	p0 =	seq.s32 s7, s2  }
0x1e: {  	s7 =	smul.u32 @!p0 $0xF7A, s2;
	p2 =	seq.s32 @!p0 s5, $0x0  }
0x1f: {  	s9 =	smul.u32 $0xF7A, s1;
	s8 =	simm.s32 @!p0 $0x1BF5;
	p2 =	por !p2, p0  }
0x20: {  	[sflag:s8] =	ssyncset.s32 @!p0 $0xFFFFF086;
	s6 =	sadd.s32 @!p0 s3, s7;
	s7 =	simm.s32 @!p0 $0x108  }
0x21: {  	s3 =	sadd.s32 s3, s9;
	s6 =	sadd.s32 @!p0 $0x88, s6;
	s7 =	simm.s32 @p2 $0x1082  }
0x22: {  	[simem:s7], [sflag:s8] =	dma.local @!p0 [hbm:s6], $0xF7A  }
0x23: {  	s9 =	sor.u32 $0xD0000000, s2;
	s6 =	simm.s32 $0x108;
	_ =	swait.ge @!p0 [sflag:s8], $0x0  }
0x24: {  	s3 =	sadd.s32 $0x88, s3;
	s6 =	simm.s32 @!p1 $0x1082;
	[sflag:s4] =	ssyncset.s32 $0xFFFFF086  }
0x25: {  	[simem:s6], [sflag:s4] =	dma.local [hbm:s3], $0xF7A  }
0x26: {  	[smem:$0x3F9D] =	sst s1;
	(tag) =	ssettag s2;
	_ =	strace s9  }
0x27: {  	s1 =	sld [smem:$0x3FAD]  }
0x28: {  	s2 =	sld [smem:$0x3FAE]  }
0x29: {  	s4 =	sld [smem:$0x3FB0]  }
0x2a: {  	p0 =	seq.s32 s5, $0x0;
	s5 =	sld [smem:$0x3FB1]  }
0x2b: {  	s6 =	sld [smem:$0x3FB2]  }
0x2c: {  	s7 =	sld [smem:$0x3FB3]  }
0x2d: {  	s3 =	simm.s32 $0x108;
	s8 =	sld [smem:$0x3FB4]  }
0x2e: {  	s3 =	simm.s32 @!p0 $0x1082;
	s9 =	sld [smem:$0x3FB5]  }
0x2f: {  	lr =	sadd.s32 s0, s3;
	s0 =	sld [smem:$0x3FAC]  }
0x30: {  	s3 =	sld [smem:$0x3FAF]  }
0x31: {  	[smem:$0x3FB8] =	sst s10  }
0x32: {  	s10 =	sld [smem:$0x3FB6];
	_ =	sdelay $0x3  }
0x33: {  	p0 =	seq.s32 s10, $0x1;
	s10 =	sld [smem:$0x3FB8];
	_ =	sdelay $0x3  }
0x34: {  	[smem:$0x3FB8] =	sst s10  }
0x35: {  	s10 =	sld [smem:$0x3FB7];
	_ =	sdelay $0x3  }
0x36: {  	p1 =	seq.s32 s10, $0x1;
	s10 =	sld [smem:$0x3FB8];
	_ =	sdelay $0x3  }
0x37: {  	[smem:$0x3FB8] =	sst s10  }
0x38: {  	s10 =	sld [smem:$0x3FB9]  }
0x39: {  	_ = 	snop;
	(pc) =	sbr.ind lr, $3  }
0x3a: {  	_ = 	snop  }
0x3b: {  	_ = 	snop  }
0x3c: {  	p2 =	seq.s32 s10, $0x1;
	s10 =	sld [smem:$0x3FB8]  }
0x3d: {  	_ =	shalt  }
0x3e: {  	_ =	shalt  }
0x3f: {  	_ =	shalt  }
0x40: {  	_ =	shalt  }
0x41: {  	_ =	shalt  }
0x42: {  	_ =	shalt  }
0x43: {  	_ =	shalt  }
0x44: {  	_ =	shalt  }
0x45: {  	_ =	shalt  }
0x46: {  	_ =	shalt  }
0x47: {  	_ =	shalt  }
0x48: {  	_ =	shalt  }
0x49: {  	_ =	shalt  }
0x4a: {  	_ =	shalt  }
0x4b: {  	_ =	shalt  }
0x4c: {  	_ =	shalt  }
0x4d: {  	_ =	shalt  }
0x4e: {  	_ =	shalt  }
0x4f: {  	_ =	shalt  }
0x50: {  	_ =	shalt  }
0x51: {  	_ =	shalt  }
0x52: {  	_ =	shalt  }
0x53: {  	_ =	shalt  }
0x54: {  	_ =	shalt  }
0x55: {  	_ =	shalt  }
0x56: {  	_ =	shalt  }
0x57: {  	_ =	shalt  }
0x58: {  	_ =	shalt  }
0x59: {  	_ =	shalt  }
0x5a: {  	_ =	shalt  }
0x5b: {  	_ =	shalt  }
0x5c: {  	_ =	shalt  }
0x5d: {  	_ =	shalt  }
0x5e: {  	_ =	shalt  }
0x5f: {  	_ =	shalt  }
0x60: {  	_ =	shalt  }
0x61: {  	_ =	shalt  }
0x62: {  	_ =	shalt  }
0x63: {  	_ =	shalt  }
0x64: {  	_ =	shalt  }
0x65: {  	_ =	shalt  }
0x66: {  	_ =	shalt  }
0x67: {  	_ =	shalt  }
0x68: {  	_ =	shalt  }
0x69: {  	_ =	shalt  }
0x6a: {  	_ =	shalt  }
0x6b: {  	_ =	shalt  }
0x6c: {  	_ =	shalt  }
0x6d: {  	_ =	shalt  }
0x6e: {  	_ =	shalt  }
0x6f: {  	_ =	shalt  }
0x70: {  	_ =	shalt  }
0x71: {  	_ =	shalt  }
0x72: {  	_ =	shalt  }
0x73: {  	_ =	shalt  }
0x74: {  	_ =	shalt  }
0x75: {  	_ =	shalt  }
0x76: {  	_ =	shalt  }
0x77: {  	_ =	shalt  }
0x78: {  	_ =	shalt  }
0x79: {  	_ =	shalt  }
0x7a: {  	_ =	shalt  }
0x7b: {  	_ =	shalt  }
0x7c: {  	_ =	shalt  }
0x7d: {  	_ =	shalt  }
0x7e: {  	_ =	shalt  }
0x7f: {  	_ =	shalt  }
0x80: {  	_ =	shalt  }
0x81: {  	_ =	shalt  }
0x82: {  	_ =	shalt  }
0x83: {  	_ =	shalt  }
0x84: {  	_ =	shalt  }
0x85: {  	_ =	shalt  }
0x86: {  	_ =	shalt  }
0x87: {  	_ =	shalt  }
.Lfunc_end0:
.L_simem_size_0:
called_computation.1_lowered:
.L_overlay_start_0:
0x88: {  	s2 =	sld [smem:$0x3FD9]  }
0x89: {  	s3 =	sld [smem:$0x3FFE];
	_ =	sdelay $0x1  }
0x8a: {  	s1 =	srdreg.scid  }
0x8b: {  	s0 =	sand.u32 $0x1, s1  }
0x8c: {  	s14 =	sshll.u32 s0, $0xA;
	s2 =	sadd.s32 s3, s2  }
0x8d: {  	s2 =	sadd.s32 s2, s14  }
0x8e: {  	[smem:$0x3FC4] =	sst s2  }
0x8f: {  	_ = 	snop  }
0x90: {  	s2 =	sld [smem:$0x3FD0];
	_ =	sdelay $0x3  }
0x91: {  	s15 =	simm.s32 $0xA;
	s4 =	simm.s32 $0x10;
	s2 =	sadd.s32 $0x1, s2  }
0x92: {  	[smem:s4], [sflag:s15] =	dma.local [hbm:s2], $0x1  }
0x93: {  	_ =	swait.eq [sflag:s15], $0x1  }
0x94: {  	[sflag:s15] =	ssyncset.done $0x0  }
0x95: {  	[sflag:s15] =	ssyncadd.s32 $0xFFFFFFFF  }
0x96: {  	s16 =	sld [smem:$0x11];
	(tm) =	ssettm $0x1  }
0x97: {  	s17 =	sld [smem:$0x3FFB];
	_ =	sdelay $0x3  }
0x98: {  	_ =	strace s17  }
0x99: {  	s3 =	sld [smem:$0x3FFC];
	_ =	sdelay $0x3  }
0x9a: {  	_ =	strace s3  }
0x9b: {  	s3 =	sld [smem:$0x3FFD];
	_ =	sdelay $0x3  }
0x9c: {  	_ =	strace s3  }
0x9d: {  	_ =	strace $0x8FFFFFFF  }
0x9e: {  	s18 =	sld [smem:$0x3FDB];
	_ =	sdelay $0x1  }
0x9f: {  	s19 =	simm.s32 $_scs_section_size  }
0xa0: {  	s5 =	simm.s32 $_size__tile_overlayer_lowered;
	s6 =	simm.s32 $_tile_overlayer_lowered  }
0xa1: {  	s22 =	simm.s32 $0x1BFF;
	s21 =	sshll.u32 s6, $0x1;
	s3 =	sadd.s32 s19, s18  }
0xa2: {  	s7 =	simm.s32 $0x0;
	s20 =	sshll.u32 s5, $0x1;
	s5 =	sadd.s32 s21, s3  }
0xa3: {  	[timem:s7], [sflag:s22] =	dma.local [hbm:s5], s20  }
0xa4: {  	_ =	swait.ge [sflag:s22], s20  }
0xa5: {  	s4 =	ssub.s32 $0x0, s20;
	[sflag:s22] =	ssyncset.done $0x0  }
0xa6: {  	[sflag:s22] =	ssyncadd.s32 s4;
	_ =	sdelay $0x1  }
0xa7: {  	s23 =	simm.s32 $0x1B8B  }
0xa8: {  	_ =	swait.ge [sflag:s23], $0x1  }
0xa9: {  	[sflag:s23] =	ssyncset.done $0x0  }
0xaa: {  	s25 =	simm.s32 $0x1B8E;
	s24 =	sld [smem:$0x3FFE];
	[sflag:s23] =	ssyncadd.s32 $0xFFFFFFFF  }
0xab: {  	s26 =	simm.s32 $execute0_lowered;
	[smem:$0x3FD2] =	sst s25  }
0xac: {  	s5 =	sshll.u32 s26, $0x1;
	_ =	strace $0x80000049;
	[dreg:$0x1] =	wrdreg $0xFFFFFFFF  }
0xad: {  	s28 =	simm.s32 $_size_execute0_lowered;
	s3 =	sadd.s32 s3, s5;
	[dreg:$0x0] =	wrdreg $0x0  }
0xae: {  	s5 =	sshll.u32 s28, $0x1;
	[dreg:$0x2] =	wrdreg s3  }
0xaf: {  	[dreg:$0x3] =	wrdreg s5  }
0xb0: {  	[dreg:$0x4] =	wrdreg $0xC0  }
0xb1: {  	_ =	task [dreg:s7], $0x5FFFF  }
0xb2: {  	[dreg:$0x1] =	wrdreg $0xFFFFFFFF  }
0xb3: {  	[dreg:$0x0] =	wrdreg $0x60  }
0xb4: {  	[dreg:$0x2] =	wrdreg s24  }
0xb5: {  	[dreg:$0x3] =	wrdreg s16  }
0xb6: {  	[dreg:$0x4] =	wrdreg $0x9  }
0xb7: {  	_ =	task.clear_ibuf [dreg:s7], $0x5FFFF;
	_ =	strace $0x90000049  }
0xb8: {  	s29 =	simm.s32 $0x9;
	_ =	strace $0x8000004B  }
0xb9: {  	_ =	swait.ge [sflag:s29], $0x1  }
0xba: {  	[sflag:s29] =	ssyncadd.s32 $0xFFFFFFFF  }
0xbb: {  	_ =	strace $0x9000004B  }
0xbc: {  	_ =	sfence  }
0xbd: {  	s30 =	sld [smem:$0x0];
	_ =	sdelay $0x2  }
0xbe: {  	s31 =	sshll.u32 s1, $0xD;
	s1 =	sshrl.u32 s1, $0x2  }
0xbf: {  	s3 =	sand.u32 $0x4000, s31;
	s1 =	sadd.s32 s1, s30  }
0xc0: {  	s0 =	sor.u32 s3, s0;
	s1 =	sshll.u32 s1, $0x11  }
0xc1: {  	s0 =	sor.u32 s1, s0  }
0xc2: {  	s0 =	sadd.s32 $0x8F2B, s0  }
0xc3: {  	[sflag:s0] =	ssyncadd.remote.s32 $0x1  }
0xc4: {  	_ =	sfence.sel $0xFFFF  }
0xc5: {  	[dreg:$0x0] =	wrdreg $0xFFFFFFFF;
	(pc) =	sbr.abs _section_cstart, $3  }
0xc6: {  	[dreg:$0x1] =	wrdreg $0xFFFFFFFF  }
0xc7: {  	_ =	task.clear_ibuf [dreg:s7], $0x2FFFF;
	_ =	strace $0x9FFFFFFF  }
0xc8: {  	(tm) =	ssettm $0x7FFFFFFF  }
0xc9: {  	_ =	shalt  }
tec
execute0_lowered:
.L_overlay_start_1:
0x0: {  	(tag) =	ssettag $0x1  }
0x1: {  	s7 =	rddreg [dreg:$0x0]  }
0x2: {  	s2 =	rddreg [dreg:$0x1]  }
0x3: {  	s0 =	rddreg [dreg:$0x2]  }
0x4: {  	s1 =	srdreg.scid;
	_ =	strace $0x8000004A;
	s4 =	simm.s32 $0x1  }
0x5: {  	s9 =	simm.s32 $0x3;
	s12 =	simm.s32 $0x0;
	s5 =	sshll.u32 s1, $0x4  }
.Ltmp0:
0x6: {  	s1 =	stileid.u32;
	s5 =	sand.u32 $0x10, s5;
	(pc) =	sbr.rel .LBB2_1-.Ltmp0, $4  }
0x7: {  	s10 =	simm.s32 $0x0;
	s3 =	sadd.s32 $0xE00, s7;
	s6 =	sor.u32 s1, s5  }
0x8: {  	[sflag:s4] =	ssyncpa.u1 $0x0;
	s5 =	simm.s32 $0x2;
	s6 =	sshll.u32 s6, $0x6  }
0x9: {  	s7 =	sadd.s32 $0x60E00, s7;
	[sflag:s5] =	ssyncpa.u1 $0x0;
	s8 =	sadd.s32 $0x40, s6  }
0xa: {  	vm0 =	vmmov $0xff;
	vm1 =	vcmask $0x3F20;
	[sflag:s9] =	ssyncpa.u1 $0x0;
	s9 =	simm.s32 $0x40;
	s11 =	smov.u32 s6  }
.LBB2_9:
0xb: {  	p0 =	seq.s32 s10, $0x2  }
.Ltmp1:
0xc: {  	_ = 	snop;
	(pc) =	sbr.rel @p0 .LBB2_11-.Ltmp1, $1  }
0xd: {  	_ =	sdelay $0x3  }
.LBB2_10:
0xe: {  	s12 =	sadd.s32 $0x40, s11  }
0xf: {  	s13 =	smov.u32 s6;
	p0 =	slt.s32 s12, s8  }
0x10: {  	s13 =	smov.u32 @p0 s12  }
0x11: {  	s10 =	sadd.s32 $0x1, s10;
	s12 =	smov.u32 s11;
	s11 =	smov.u32 s13  }
.LBB2_1:
0x12: {  	p0 =	sne.s32 s10, $0x0  }
.Ltmp2:
0x13: {  	_ = 	snop;
	(pc) =	sbr.rel @!p0 .LBB2_2-.Ltmp2, $1  }
0x14: {  	_ =	sdelay $0x3  }
0x15: {  	s13 =	sand.u32 $0x1, s10  }
0x16: {  	p0 =	seq.s32 s13, $0x0  }
.Ltmp3:
0x17: {  	_ = 	snop;
	(pc) =	sbr.rel @p0 .LBB2_9-.Ltmp3, $1  }
0x18: {  	_ =	sdelay $0x3  }
0x19: {  	_ =	swait.ge [sflag:s5], $0x40  }
0x1a: {  	[sflag:s5] =	ssyncset.done $0x0  }
0x1b: {  	s13 =	simm.s32 $0x0;
	[sflag:s5] =	ssyncadd.s32 $0xFFFFFFC0  }
0x1c: {  	v0 =	vld.msk [tilespmem:s13+$0x40 ss:$0x1], $0xffff;
	_ =	sdelay $0x4  }
0x1d: {  	vm2 =	vgt.s32 v0, $0x0  }
0x1e: {  	v0 =	vnsel vm2, $0x0, v0  }
0x1f: {  	v0 =	vmin.u32 v0, $0x1FFF  }
0x20: {  	v0 =	vshll.u32 v0, $0x4;
	_ =	sdelay $0x3  }
0x21: {  	s13 =	simm.s32 $0x2080  }
0x22: {  	[tilespmem:s13], [sflag:$0x1] =	stream.indirect_vreg.gather [hbm:s3], $0x80, v0, vm0, $0x38;
	[tilespmem:$0x4080] =	vst v63  }
0x23: {  	s14 =	simm.s32 $0x2480;
	s31 =	simm.s32 $0x10  }
0x24: {  	[tilespmem:s14], [sflag:$0x1] =	stream.indirect_vreg.gather [hbm:s3], $0x80, v0, vm1, $0x38;
	[tilespmem:$0x4080] =	vst v63  }
0x25: {  	s14 =	simm.s32 $0x80;
	v0 =	vld.msk [tilespmem:s31+$0x40 ss:$0x1], $0xffff  }
.LBB2_5:
0x26: {  	p0 =	sne.s32 s14, $0xC0;
	_ =	sdelay $0x4  }
0x27: {  	vm2 =	vgt.s32 v0, $0x0  }
0x28: {  	v0 =	vnsel vm2, $0x0, v0  }
0x29: {  	v0 =	vmin.u32 v0, $0x1FFF  }
0x2a: {  	v0 =	vshll.u32 v0, $0x4;
	_ =	sdelay $0x3  }
.Ltmp4:
0x2b: {  	s13 =	sadd.s32 $0x800, s13;
	(pc) =	sbr.rel @p0 .LBB2_5-.Ltmp4, $4  }
0x2c: {  	[tilespmem:s13], [sflag:$0x1] =	stream.indirect_vreg.gather [hbm:s3], $0x80, v0, vm0, $0x38;
	[tilespmem:$0x4080] =	vst v63  }
0x2d: {  	s15 =	sshra.s32 s14, $0x2;
	s16 =	sadd.s32 $0x400, s13  }
0x2e: {  	[tilespmem:s16], [sflag:$0x1] =	stream.indirect_vreg.gather [hbm:s3], $0x80, v0, vm1, $0x38;
	[tilespmem:$0x4080] =	vst v63  }
0x2f: {  	s14 =	sadd.s32 $0x40, s14;
	v0 =	vld.msk [tilespmem:s15+$0x40 ss:$0x1], $0xffff  }
0x30: {  	_ =	sdelay $0x3  }
0x31: {  	vm2 =	vgt.s32 v0, $0x0  }
0x32: {  	v0 =	vnsel vm2, $0x0, v0  }
0x33: {  	v0 =	vmin.u32 v0, $0x1FFF  }
0x34: {  	v0 =	vshll.u32 v0, $0x4;
	_ =	sdelay $0x3  }
0x35: {  	s13 =	sadd.s32 $0x800, s13  }
0x36: {  	[tilespmem:s13], [sflag:$0x1] =	stream.indirect_vreg.gather [hbm:s3], $0x80, v0, vm0, $0x38;
	[tilespmem:$0x4080] =	vst v63  }
0x37: {  	s13 =	sadd.s32 $0x400, s13  }
0x38: {  	[tilespmem:s13], [sflag:$0x1] =	stream.indirect_vreg.gather [hbm:s3], $0x80, v0, vm1, $0x38;
	[tilespmem:$0x4080] =	vst v63  }
0x39: {  	s12 =	sshll.u32 s12, $0x4;
	s14 =	simm.s32 $0x80;
	_ =	swait.ge [sflag:s4], $0x2000  }
0x3a: {  	s15 =	simm.s32 $0x2480;
	s12 =	sadd.s32 s12, s7;
	[sflag:s4] =	ssyncset.done $0x0  }
0x3b: {  	s16 =	sadd.s32 $0x0, s12;
	s13 =	simm.s32 $0x2080;
	[sflag:s4] =	ssyncadd.s32 $0xFFFFE000  }
.LBB2_7:
0x3c: {  	[hbm:s16] =	stream.linear.scatter [tilespmem:s13], [sflag:$0x3], $0x400, $0x38;
	[tilespmem:$0x4080] =	vst v63  }
0x3d: {  	s16 =	smov.u32 s14;
	s13 =	smov.u32 s15;
	p0 =	sne.s32 s14, $0x380  }
.Ltmp5:
0x3e: {  	s14 =	sadd.s32 $0x80, s14;
	(pc) =	sbr.rel @p0 .LBB2_7-.Ltmp5, $2  }
0x3f: {  	_ =	sdelay $0x2  }
0x40: {  	s15 =	sadd.s32 $0x400, s15;
	s16 =	sadd.s32 s16, s12  }
.Ltmp6:
0x41: {  	(pc) =	sbr.rel .LBB2_9-.Ltmp6, $2  }
0x42: {  	_ =	sdelay $0x2  }
0x43: {  	[hbm:s16] =	stream.linear.scatter [tilespmem:s13], [sflag:$0x3], $0x400, $0x38;
	[tilespmem:$0x4080] =	vst v63  }
.LBB2_2:
.Ltmp7:
0x44: {  	(pc) =	sbr.rel .LBB2_10-.Ltmp7, $4  }
0x45: {  	_ = 	snop  }
0x46: {  	s12 =	sshrl.u32 s11, $0x3  }
0x47: {  	s13 =	sand.u32 $0x7, s11;
	s12 =	sadd.s32 s2, s12  }
0x48: {  	[tilespmem:s9], [sflag:$0x2] =	stream.linear.gather [hbm4b:s12+s13], $0x40, $0x38;
	[tilespmem:$0x4080] =	vst v63  }
.LBB2_11:
0x49: {  	s2 =	simm.s32 $0x3  }
0x4a: {  	_ =	swait.ge [sflag:s2], $0x2000  }
0x4b: {  	[sflag:s2] =	ssyncset.done $0x0  }
0x4c: {  	[sflag:s2] =	ssyncadd.s32 $0xFFFFE000  }
0x4d: {  	_ =	sfence.sel $0x180000  }
0x4e: {  	s3 =	simm.s32 $0x2;
	[bflag:$0x0] =	sbarrier.arrive $0xFFFF  }
0x4f: {  	[sflag:s3] =	ssyncpa.u1 $0x1  }
0x50: {  	s31 =	simm.s32 $0x1;
	[sflag:s2] =	ssyncpa.u1 $0x1  }
0x51: {  	[sflag:s31] =	ssyncpa.u1 $0x1  }
0x52: {  	p0 =	sne.s32 s1, $0x0;
	_ =	strace $0x9000004A  }
0x53: {  	s0 =	sadd.s32 @!p0 $0x100000, s0;
	[bflag:$0x2] =	sbarrier.arrive $0xFFFF  }
0x54: {  	[sflag:s0] =	ssyncadd.tile.s32 @!p0 $0x1;
	_ =	shalt  }
.Lfunc_end2:
_tile_overlayer_lowered:
.L_overlay_start_2:
0x55: {  	(tag) =	ssettag $0x2  }
0x56: {  	s0 =	rddreg [dreg:$0x0];
	s2 =	stileid.u32  }
0x57: {  	s1 =	rddreg [dreg:$0x1];
	p0 =	sne.s32 s2, $0x0  }
0x58: {  	s3 =	rddreg [dreg:$0x2];
	[bflag:$0x3] =	sbarrier.arrive $0xFFFF;
	s2 =	simm.s32 @!p0 $0x1C01  }
0x59: {  	[timem:s3], [sflag:s2] =	dma.local @!p0 [hbm:s0], s1  }
0x5a: {  	s0 =	simm.s32 @!p0 $0x1  }
0x5b: {  	_ =	swait.ge @!p0 [sflag:s0], s1  }
0x5c: {  	s1 =	ssub.s32 @!p0 $0x0, s1;
	[sflag:s0] =	ssyncset.done @!p0 $0x0  }
0x5d: {  	[sflag:s0] =	ssyncadd.s32 @!p0 s1  }
0x5e: {  	[bflag:$0x3] =	sbarrier.arrive $0xFFFF  }
0x5f: {  	_ =	shalt  }

// kernel: gather_offload_async_start.2
scs
__scs_entry_jumppad:
0x0: {  	(pc) =	sbr.rel $0x88, $3  }
0x1: {  	(tag) =	ssettag $0x0;
	lr =	simm.s32 $0x1  }
0x2: {  	[smem:$0x3F9D] =	sst lr;
	_ =	strace $0xD0000000  }
0x3: {  	_ = 	snop  }
0x4: {  	_ = 	snop  }
0x5: {  	_ = 	snop  }
0x6: {  	_ = 	snop  }
0x7: {  	_ = 	snop  }
__scs_overlays_trampoline_lowered:
0x8: {  	[smem:$0x3FAC] =	sst s0  }
0x9: {  	[smem:$0x3FAD] =	sst s1  }
0xa: {  	[smem:$0x3FAE] =	sst s2  }
0xb: {  	[smem:$0x3FAF] =	sst s3  }
0xc: {  	[smem:$0x3FB0] =	sst s4  }
0xd: {  	[smem:$0x3FB1] =	sst s5  }
0xe: {  	[smem:$0x3FB2] =	sst s6  }
0xf: {  	[smem:$0x3FB3] =	sst s7  }
0x10: {  	[smem:$0x3FB4] =	sst s8  }
0x11: {  	[smem:$0x3FB5] =	sst s9;
	s0 =	simm.s32 @!p0 $0x0  }
0x12: {  	s1 =	sld [smem:$0x3F9B];
	s0 =	simm.s32 @p0 $0x1  }
0x13: {  	[smem:$0x3FB6] =	sst s0;
	s0 =	simm.s32 @!p1 $0x0  }
0x14: {  	s2 =	sld [smem:$0x3F9A];
	s0 =	simm.s32 @p1 $0x1  }
0x15: {  	[smem:$0x3FB7] =	sst s0;
	s0 =	simm.s32 @!p2 $0x0  }
0x16: {  	s3 =	sld [smem:$0x3FDB];
	s0 =	simm.s32 @p2 $0x1  }
0x17: {  	s4 =	simm.s32 $0x1BF5;
	[smem:$0x3FB9] =	sst s0  }
0x18: {  	s0 =	sld [smem:$0x3F9C];
	_ =	swait.ge [sflag:s4], $0x0  }
0x19: {  	s7 =	sld [smem:$0x3F9D]  }
0x1a: {  	s8 =	sadd.s32 $0xFFFFE003, lr  }
0x1b: {  	s9 =	sadd.s32 $0xFFFFFEF7, lr;
	s5 =	simm.s32 $0xFFFFFFFF;
	p2 =	slt.u32 s8, $0xFFFFF086  }
0x1c: {  	p1 =	slt.u32 s9, $0xF7A;
	s5 =	simm.s32 @!p2 $0x0  }
0x1d: {  	s5 =	simm.s32 @p1 $0x1;
	p0 =	seq.s32 s7, s2  }
0x1e: {  	s7 =	smul.u32 @!p0 $0xF7A, s2;
	p2 =	seq.s32 @!p0 s5, $0x0  }
0x1f: {  	s9 =	smul.u32 $0xF7A, s1;
	s8 =	simm.s32 @!p0 $0x1BF5;
	p2 =	por !p2, p0  }
0x20: {  	[sflag:s8] =	ssyncset.s32 @!p0 $0xFFFFF086;
	s6 =	sadd.s32 @!p0 s3, s7;
	s7 =	simm.s32 @!p0 $0x108  }
0x21: {  	s3 =	sadd.s32 s3, s9;
	s6 =	sadd.s32 @!p0 $0x88, s6;
	s7 =	simm.s32 @p2 $0x1082  }
0x22: {  	[simem:s7], [sflag:s8] =	dma.local @!p0 [hbm:s6], $0xF7A  }
0x23: {  	s9 =	sor.u32 $0xD0000000, s2;
	s6 =	simm.s32 $0x108;
	_ =	swait.ge @!p0 [sflag:s8], $0x0  }
0x24: {  	s3 =	sadd.s32 $0x88, s3;
	s6 =	simm.s32 @!p1 $0x1082;
	[sflag:s4] =	ssyncset.s32 $0xFFFFF086  }
0x25: {  	[simem:s6], [sflag:s4] =	dma.local [hbm:s3], $0xF7A  }
0x26: {  	[smem:$0x3F9D] =	sst s1;
	(tag) =	ssettag s2;
	_ =	strace s9  }
0x27: {  	s1 =	sld [smem:$0x3FAD]  }
0x28: {  	s2 =	sld [smem:$0x3FAE]  }
0x29: {  	s4 =	sld [smem:$0x3FB0]  }
0x2a: {  	p0 =	seq.s32 s5, $0x0;
	s5 =	sld [smem:$0x3FB1]  }
0x2b: {  	s6 =	sld [smem:$0x3FB2]  }
0x2c: {  	s7 =	sld [smem:$0x3FB3]  }
0x2d: {  	s3 =	simm.s32 $0x108;
	s8 =	sld [smem:$0x3FB4]  }
0x2e: {  	s3 =	simm.s32 @!p0 $0x1082;
	s9 =	sld [smem:$0x3FB5]  }
0x2f: {  	lr =	sadd.s32 s0, s3;
	s0 =	sld [smem:$0x3FAC]  }
0x30: {  	s3 =	sld [smem:$0x3FAF]  }
0x31: {  	[smem:$0x3FB8] =	sst s10  }
0x32: {  	s10 =	sld [smem:$0x3FB6];
	_ =	sdelay $0x3  }
0x33: {  	p0 =	seq.s32 s10, $0x1;
	s10 =	sld [smem:$0x3FB8];
	_ =	sdelay $0x3  }
0x34: {  	[smem:$0x3FB8] =	sst s10  }
0x35: {  	s10 =	sld [smem:$0x3FB7];
	_ =	sdelay $0x3  }
0x36: {  	p1 =	seq.s32 s10, $0x1;
	s10 =	sld [smem:$0x3FB8];
	_ =	sdelay $0x3  }
0x37: {  	[smem:$0x3FB8] =	sst s10  }
0x38: {  	s10 =	sld [smem:$0x3FB9]  }
0x39: {  	_ = 	snop;
	(pc) =	sbr.ind lr, $3  }
0x3a: {  	_ = 	snop  }
0x3b: {  	_ = 	snop  }
0x3c: {  	p2 =	seq.s32 s10, $0x1;
	s10 =	sld [smem:$0x3FB8]  }
0x3d: {  	_ =	shalt  }
0x3e: {  	_ =	shalt  }
0x3f: {  	_ =	shalt  }
0x40: {  	_ =	shalt  }
0x41: {  	_ =	shalt  }
0x42: {  	_ =	shalt  }
0x43: {  	_ =	shalt  }
0x44: {  	_ =	shalt  }
0x45: {  	_ =	shalt  }
0x46: {  	_ =	shalt  }
0x47: {  	_ =	shalt  }
0x48: {  	_ =	shalt  }
0x49: {  	_ =	shalt  }
0x4a: {  	_ =	shalt  }
0x4b: {  	_ =	shalt  }
0x4c: {  	_ =	shalt  }
0x4d: {  	_ =	shalt  }
0x4e: {  	_ =	shalt  }
0x4f: {  	_ =	shalt  }
0x50: {  	_ =	shalt  }
0x51: {  	_ =	shalt  }
0x52: {  	_ =	shalt  }
0x53: {  	_ =	shalt  }
0x54: {  	_ =	shalt  }
0x55: {  	_ =	shalt  }
0x56: {  	_ =	shalt  }
0x57: {  	_ =	shalt  }
0x58: {  	_ =	shalt  }
0x59: {  	_ =	shalt  }
0x5a: {  	_ =	shalt  }
0x5b: {  	_ =	shalt  }
0x5c: {  	_ =	shalt  }
0x5d: {  	_ =	shalt  }
0x5e: {  	_ =	shalt  }
0x5f: {  	_ =	shalt  }
0x60: {  	_ =	shalt  }
0x61: {  	_ =	shalt  }
0x62: {  	_ =	shalt  }
0x63: {  	_ =	shalt  }
0x64: {  	_ =	shalt  }
0x65: {  	_ =	shalt  }
0x66: {  	_ =	shalt  }
0x67: {  	_ =	shalt  }
0x68: {  	_ =	shalt  }
0x69: {  	_ =	shalt  }
0x6a: {  	_ =	shalt  }
0x6b: {  	_ =	shalt  }
0x6c: {  	_ =	shalt  }
0x6d: {  	_ =	shalt  }
0x6e: {  	_ =	shalt  }
0x6f: {  	_ =	shalt  }
0x70: {  	_ =	shalt  }
0x71: {  	_ =	shalt  }
0x72: {  	_ =	shalt  }
0x73: {  	_ =	shalt  }
0x74: {  	_ =	shalt  }
0x75: {  	_ =	shalt  }
0x76: {  	_ =	shalt  }
0x77: {  	_ =	shalt  }
0x78: {  	_ =	shalt  }
0x79: {  	_ =	shalt  }
0x7a: {  	_ =	shalt  }
0x7b: {  	_ =	shalt  }
0x7c: {  	_ =	shalt  }
0x7d: {  	_ =	shalt  }
0x7e: {  	_ =	shalt  }
0x7f: {  	_ =	shalt  }
0x80: {  	_ =	shalt  }
0x81: {  	_ =	shalt  }
0x82: {  	_ =	shalt  }
0x83: {  	_ =	shalt  }
0x84: {  	_ =	shalt  }
0x85: {  	_ =	shalt  }
0x86: {  	_ =	shalt  }
0x87: {  	_ =	shalt  }
.Lfunc_end0:
.L_simem_size_0:
called_computation.2_lowered:
.L_overlay_start_0:
0x88: {  	s2 =	sld [smem:$0x3FD9]  }
0x89: {  	s3 =	sld [smem:$0x3FFE];
	_ =	sdelay $0x1  }
0x8a: {  	s1 =	srdreg.scid  }
0x8b: {  	s0 =	sand.u32 $0x1, s1  }
0x8c: {  	s14 =	sshll.u32 s0, $0xA;
	s2 =	sadd.s32 s3, s2  }
0x8d: {  	s2 =	sadd.s32 s2, s14  }
0x8e: {  	[smem:$0x3FC4] =	sst s2  }
0x8f: {  	_ = 	snop  }
0x90: {  	s2 =	sld [smem:$0x3FD0];
	_ =	sdelay $0x3  }
0x91: {  	s15 =	simm.s32 $0xA;
	s4 =	simm.s32 $0x10;
	s2 =	sadd.s32 $0x1, s2  }
0x92: {  	[smem:s4], [sflag:s15] =	dma.local [hbm:s2], $0x1  }
0x93: {  	_ =	swait.eq [sflag:s15], $0x1  }
0x94: {  	[sflag:s15] =	ssyncset.done $0x0  }
0x95: {  	[sflag:s15] =	ssyncadd.s32 $0xFFFFFFFF  }
0x96: {  	s16 =	sld [smem:$0x12];
	(tm) =	ssettm $0x1  }
0x97: {  	s17 =	sld [smem:$0x3FFB];
	_ =	sdelay $0x3  }
0x98: {  	_ =	strace s17  }
0x99: {  	s3 =	sld [smem:$0x3FFC];
	_ =	sdelay $0x3  }
0x9a: {  	_ =	strace s3  }
0x9b: {  	s3 =	sld [smem:$0x3FFD];
	_ =	sdelay $0x3  }
0x9c: {  	_ =	strace s3  }
0x9d: {  	_ =	strace $0x8FFFFFFF  }
0x9e: {  	s18 =	sld [smem:$0x3FDB];
	_ =	sdelay $0x1  }
0x9f: {  	s19 =	simm.s32 $_scs_section_size  }
0xa0: {  	s5 =	simm.s32 $_size__tile_overlayer_lowered;
	s6 =	simm.s32 $_tile_overlayer_lowered  }
0xa1: {  	s22 =	simm.s32 $0x1BFF;
	s21 =	sshll.u32 s6, $0x1;
	s3 =	sadd.s32 s19, s18  }
0xa2: {  	s7 =	simm.s32 $0x0;
	s20 =	sshll.u32 s5, $0x1;
	s5 =	sadd.s32 s21, s3  }
0xa3: {  	[timem:s7], [sflag:s22] =	dma.local [hbm:s5], s20  }
0xa4: {  	_ =	swait.ge [sflag:s22], s20  }
0xa5: {  	s4 =	ssub.s32 $0x0, s20;
	[sflag:s22] =	ssyncset.done $0x0  }
0xa6: {  	[sflag:s22] =	ssyncadd.s32 s4;
	_ =	sdelay $0x1  }
0xa7: {  	s23 =	simm.s32 $0x1B8B  }
0xa8: {  	_ =	swait.ge [sflag:s23], $0x1  }
0xa9: {  	[sflag:s23] =	ssyncset.done $0x0  }
0xaa: {  	s25 =	simm.s32 $0x1B8E;
	s24 =	sld [smem:$0x3FFE];
	[sflag:s23] =	ssyncadd.s32 $0xFFFFFFFF  }
0xab: {  	s26 =	simm.s32 $execute0_lowered;
	[smem:$0x3FD2] =	sst s25  }
0xac: {  	s5 =	sshll.u32 s26, $0x1;
	_ =	strace $0x8000004C;
	[dreg:$0x1] =	wrdreg $0xFFFFFFFF  }
0xad: {  	s28 =	simm.s32 $_size_execute0_lowered;
	s3 =	sadd.s32 s3, s5;
	[dreg:$0x0] =	wrdreg $0x0  }
0xae: {  	s5 =	sshll.u32 s28, $0x1;
	[dreg:$0x2] =	wrdreg s3  }
0xaf: {  	[dreg:$0x3] =	wrdreg s5  }
0xb0: {  	[dreg:$0x4] =	wrdreg $0xC0  }
0xb1: {  	_ =	task [dreg:s7], $0x5FFFF  }
0xb2: {  	[dreg:$0x1] =	wrdreg $0xFFFFFFFF  }
0xb3: {  	[dreg:$0x0] =	wrdreg $0x60  }
0xb4: {  	[dreg:$0x2] =	wrdreg s24  }
0xb5: {  	[dreg:$0x3] =	wrdreg s16  }
0xb6: {  	[dreg:$0x4] =	wrdreg $0x9  }
0xb7: {  	_ =	task.clear_ibuf [dreg:s7], $0x5FFFF;
	_ =	strace $0x9000004C  }
0xb8: {  	s29 =	simm.s32 $0x9;
	_ =	strace $0x8000004E  }
0xb9: {  	_ =	swait.ge [sflag:s29], $0x1  }
0xba: {  	[sflag:s29] =	ssyncadd.s32 $0xFFFFFFFF  }
0xbb: {  	_ =	strace $0x9000004E  }
0xbc: {  	_ =	sfence  }
0xbd: {  	s30 =	sld [smem:$0x0];
	_ =	sdelay $0x2  }
0xbe: {  	s31 =	sshll.u32 s1, $0xD;
	s1 =	sshrl.u32 s1, $0x2  }
0xbf: {  	s3 =	sand.u32 $0x4000, s31;
	s1 =	sadd.s32 s1, s30  }
0xc0: {  	s0 =	sor.u32 s3, s0;
	s1 =	sshll.u32 s1, $0x11  }
0xc1: {  	s0 =	sor.u32 s1, s0  }
0xc2: {  	s0 =	sadd.s32 $0x8F2B, s0  }
0xc3: {  	[sflag:s0] =	ssyncadd.remote.s32 $0x1  }
0xc4: {  	_ =	sfence.sel $0xFFFF  }
0xc5: {  	[dreg:$0x0] =	wrdreg $0xFFFFFFFF;
	(pc) =	sbr.abs _section_cstart, $3  }
0xc6: {  	[dreg:$0x1] =	wrdreg $0xFFFFFFFF  }
0xc7: {  	_ =	task.clear_ibuf [dreg:s7], $0x2FFFF;
	_ =	strace $0x9FFFFFFF  }
0xc8: {  	(tm) =	ssettm $0x7FFFFFFF  }
0xc9: {  	_ =	shalt  }
tec
execute0_lowered:
.L_overlay_start_1:
0x0: {  	(tag) =	ssettag $0x1  }
0x1: {  	s0 =	srdreg.scid  }
0x2: {  	s1 =	sshll.u32 s0, $0x4  }
0x3: {  	s0 =	stileid.u32;
	s1 =	sand.u32 $0x10, s1  }
0x4: {  	s9 =	rddreg [dreg:$0x0];
	s1 =	sor.u32 s0, s1  }
0x5: {  	s3 =	rddreg [dreg:$0x1];
	s2 =	smin.u32 s1, $0x12  }
0x6: {  	p0 =	slt.u32 s1, $0x12;
	s2 =	sadd.s32 s1, s2;
	s1 =	simm.s32 $0x80  }
0x7: {  	s6 =	simm.s32 $0x1;
	s2 =	sshll.u32 s2, $0x6;
	s1 =	simm.s32 @!p0 $0x40  }
0x8: {  	s7 =	simm.s32 $0x2;
	s10 =	simm.s32 $0x3;
	s4 =	sadd.s32 s1, s2  }
0x9: {  	s13 =	simm.s32 $0x0;
	s12 =	simm.s32 $0x0;
	s4 =	smin.u32 s4, $0xC80  }
.Ltmp0:
0xa: {  	s5 =	sadd.s32 $0xE00, s9;
	s8 =	ssub.s32 s4, s2;
	(pc) =	sbr.rel .LBB2_1-.Ltmp0, $4  }
0xb: {  	s1 =	rddreg [dreg:$0x2];
	_ =	strace $0x8000004D;
	p0 =	sgt.s32 s8, $0x0  }
0xc: {  	s9 =	sadd.s32 $0x80E00, s9;
	[sflag:s6] =	ssyncpa.u1 $0x0;
	s8 =	simm.s32 @!p0 $0x0  }
0xd: {  	s11 =	smov.u32 s2;
	[sflag:s7] =	ssyncpa.u1 $0x0;
	s8 =	sshrl.u32 s8, $0x6  }
0xe: {  	vm0 =	vmmov $0xff;
	vm1 =	vcmask $0x3F20;
	[sflag:s10] =	ssyncpa.u1 $0x0;
	p0 =	por $0x0, $0x0;
	s10 =	sadd.s32 $0x1, s8  }
.LBB2_6:
0xf: {  	[hbm:s17] =	stream.linear.scatter [tilespmem:s14], [sflag:$0x3], $0x400, $0x38;
	[tilespmem:$0x4080] =	vst v63  }
.LBB2_7:
0x10: {  	s13 =	sadd.s32 $0x40, s11  }
0x11: {  	s15 =	smov.u32 s2;
	p2 =	slt.s32 s13, s4  }
0x12: {  	s15 =	smov.u32 @p2 s13;
	p2 =	sne.s32 s12, s10  }
.Ltmp1:
0x13: {  	p1 =	slt.u32 s12, $0x2;
	(pc) =	sbr.rel @!p2 .LBB2_8-.Ltmp1, $4  }
0x14: {  	s14 =	simm.s32 @!p1 $0x3  }
0x15: {  	s16 =	sadd.s32 $0x1, s12;
	_ =	swait.ge @!p1 [sflag:s14], $0x2000  }
0x16: {  	p0 =	por !p0, !p0;
	s13 =	smov.u32 s11;
	[sflag:s14] =	ssyncset.done @!p1 $0x0  }
0x17: {  	s12 =	smov.u32 s16;
	s11 =	smov.u32 s15;
	[sflag:s14] =	ssyncadd.s32 @!p1 $0xFFFFE000  }
.LBB2_1:
0x18: {  	p1 =	sge.u32 s12, s8  }
0x19: {  	s14 =	sxor.u32 @!p1 $0xFFFFFFFF, s12  }
0x1a: {  	s31 =	sadd.s32 $0xFFFFFFFF, s12;
	s15 =	sshrl.u32 @!p1 s11, $0x3;
	s14 =	sshll.u32 @!p1 s14, $0x6  }
0x1b: {  	s16 =	sand.u32 @!p1 $0x7, s11;
	s15 =	sadd.s32 @!p1 s3, s15;
	s14 =	sand.u32 @!p1 $0x40, s14  }
0x1c: {  	[tilespmem:s14], [sflag:$0x2] =	stream.linear.gather @!p1 [hbm4b:s15+s16], $0x40, $0x38;
	[tilespmem:$0x4080] =	vst v63  }
0x1d: {  	p1 =	sge.u32 s31, s8  }
.Ltmp2:
0x1e: {  	_ = 	snop;
	(pc) =	sbr.rel @p1 .LBB2_7-.Ltmp2, $1  }
0x1f: {  	_ =	sdelay $0x3  }
0x20: {  	s14 =	simm.s32 $0x1  }
0x21: {  	_ =	swait.ge [sflag:s7], $0x40;
	s14 =	simm.s32 @!p0 $0x0  }
0x22: {  	[sflag:s7] =	ssyncset.done $0x0;
	s16 =	sshll.u32 s14, $0x6  }
0x23: {  	[sflag:s7] =	ssyncadd.s32 $0xFFFFFFC0;
	s15 =	sadd.s32 $0x0, s16  }
0x24: {  	v0 =	vld.msk [tilespmem:s15+$0x0 ss:$0x1], $0xffff;
	_ =	sdelay $0x4  }
0x25: {  	vm2 =	vgt.s32 v0, $0x0  }
0x26: {  	v0 =	vnsel vm2, $0x0, v0  }
0x27: {  	v0 =	vmin.u32 v0, $0x1FFF  }
0x28: {  	v0 =	vshll.u32 v0, $0x4;
	_ =	sdelay $0x2  }
0x29: {  	s14 =	sshll.u32 s14, $0xD  }
0x2a: {  	s14 =	sor.u32 $0x80, s14  }
0x2b: {  	[tilespmem:s14], [sflag:$0x1] =	stream.indirect_vreg.gather [hbm:s5], $0x80, v0, vm0, $0x38;
	[tilespmem:$0x4080] =	vst v63  }
0x2c: {  	s17 =	sadd.s32 $0x10, s16;
	s15 =	sadd.s32 $0x400, s14  }
0x2d: {  	[tilespmem:s15], [sflag:$0x1] =	stream.indirect_vreg.gather [hbm:s5], $0x80, v0, vm1, $0x38;
	[tilespmem:$0x4080] =	vst v63  }
0x2e: {  	s18 =	simm.s32 $0x80;
	v0 =	vld.msk [tilespmem:s17+$0x0 ss:$0x1], $0xffff;
	s17 =	smov.u32 s14  }
.LBB2_3:
0x2f: {  	p1 =	sne.s32 s18, $0xC0;
	_ =	sdelay $0x4  }
0x30: {  	vm2 =	vgt.s32 v0, $0x0  }
0x31: {  	v0 =	vnsel vm2, $0x0, v0  }
0x32: {  	v0 =	vmin.u32 v0, $0x1FFF  }
0x33: {  	v0 =	vshll.u32 v0, $0x4;
	_ =	sdelay $0x3  }
.Ltmp3:
0x34: {  	s19 =	sshra.s32 s18, $0x2;
	s17 =	sadd.s32 $0x800, s17;
	(pc) =	sbr.rel @p1 .LBB2_3-.Ltmp3, $4  }
0x35: {  	[tilespmem:s17], [sflag:$0x1] =	stream.indirect_vreg.gather [hbm:s5], $0x80, v0, vm0, $0x38;
	[tilespmem:$0x4080] =	vst v63  }
0x36: {  	s19 =	sadd.s32 s19, s16;
	s20 =	sadd.s32 $0x400, s17  }
0x37: {  	[tilespmem:s20], [sflag:$0x1] =	stream.indirect_vreg.gather [hbm:s5], $0x80, v0, vm1, $0x38;
	[tilespmem:$0x4080] =	vst v63  }
0x38: {  	s18 =	sadd.s32 $0x40, s18;
	v0 =	vld.msk [tilespmem:s19+$0x0 ss:$0x1], $0xffff  }
0x39: {  	_ =	sdelay $0x3  }
0x3a: {  	vm2 =	vgt.s32 v0, $0x0  }
0x3b: {  	v0 =	vnsel vm2, $0x0, v0  }
0x3c: {  	v0 =	vmin.u32 v0, $0x1FFF  }
0x3d: {  	v0 =	vshll.u32 v0, $0x4;
	_ =	sdelay $0x3  }
0x3e: {  	s16 =	sadd.s32 $0x800, s17  }
0x3f: {  	[tilespmem:s16], [sflag:$0x1] =	stream.indirect_vreg.gather [hbm:s5], $0x80, v0, vm0, $0x38;
	[tilespmem:$0x4080] =	vst v63  }
0x40: {  	s16 =	sadd.s32 $0x400, s16  }
0x41: {  	[tilespmem:s16], [sflag:$0x1] =	stream.indirect_vreg.gather [hbm:s5], $0x80, v0, vm1, $0x38;
	[tilespmem:$0x4080] =	vst v63  }
0x42: {  	s13 =	sshll.u32 s13, $0x4;
	_ =	swait.ge [sflag:s6], $0x2000  }
0x43: {  	s13 =	sadd.s32 s13, s9;
	[sflag:s6] =	ssyncset.done $0x0  }
0x44: {  	s17 =	sadd.s32 $0x0, s13;
	s16 =	simm.s32 $0x80;
	[sflag:s6] =	ssyncadd.s32 $0xFFFFE000  }
.LBB2_5:
0x45: {  	[hbm:s17] =	stream.linear.scatter [tilespmem:s14], [sflag:$0x3], $0x400, $0x38;
	[tilespmem:$0x4080] =	vst v63  }
0x46: {  	s17 =	smov.u32 s16;
	s14 =	smov.u32 s15;
	p1 =	sne.s32 s16, $0x380  }
.Ltmp4:
0x47: {  	s16 =	sadd.s32 $0x80, s16;
	(pc) =	sbr.rel @p1 .LBB2_5-.Ltmp4, $2  }
0x48: {  	_ =	sdelay $0x2  }
0x49: {  	s15 =	sadd.s32 $0x400, s15;
	s17 =	sadd.s32 s17, s13  }
.Ltmp5:
0x4a: {  	_ = 	snop;
	(pc) =	sbr.rel .LBB2_6-.Ltmp5, $1  }
0x4b: {  	_ =	sdelay $0x3  }
.LBB2_8:
0x4c: {  	_ =	sfence.sel $0x180000  }
0x4d: {  	s2 =	simm.s32 $0x2;
	[bflag:$0x0] =	sbarrier.arrive $0xFFFF  }
0x4e: {  	s30 =	simm.s32 $0x3;
	[sflag:s2] =	ssyncpa.u1 $0x1  }
0x4f: {  	s31 =	simm.s32 $0x1;
	[sflag:s30] =	ssyncpa.u1 $0x1  }
0x50: {  	[sflag:s31] =	ssyncpa.u1 $0x1  }
0x51: {  	p0 =	sne.s32 s0, $0x0;
	_ =	strace $0x9000004D  }
0x52: {  	s0 =	sadd.s32 @!p0 $0x100000, s1;
	[bflag:$0x2] =	sbarrier.arrive $0xFFFF  }
0x53: {  	[sflag:s0] =	ssyncadd.tile.s32 @!p0 $0x1;
	_ =	shalt  }
.Lfunc_end2:
_tile_overlayer_lowered:
.L_overlay_start_2:
0x54: {  	(tag) =	ssettag $0x2  }
0x55: {  	s0 =	rddreg [dreg:$0x0];
	s2 =	stileid.u32  }
0x56: {  	s1 =	rddreg [dreg:$0x1];
	p0 =	sne.s32 s2, $0x0  }
0x57: {  	s3 =	rddreg [dreg:$0x2];
	[bflag:$0x3] =	sbarrier.arrive $0xFFFF;
	s2 =	simm.s32 @!p0 $0x1C01  }
0x58: {  	[timem:s3], [sflag:s2] =	dma.local @!p0 [hbm:s0], s1  }
0x59: {  	s0 =	simm.s32 @!p0 $0x1  }
0x5a: {  	_ =	swait.ge @!p0 [sflag:s0], s1  }
0x5b: {  	s1 =	ssub.s32 @!p0 $0x0, s1;
	[sflag:s0] =	ssyncset.done @!p0 $0x0  }
0x5c: {  	[sflag:s0] =	ssyncadd.s32 @!p0 s1  }
0x5d: {  	[bflag:$0x3] =	sbarrier.arrive $0xFFFF  }
0x5e: {  	_ =	shalt  }

// kernel: gather_offload_async_start.3
scs
__scs_entry_jumppad:
0x0: {  	(pc) =	sbr.rel $0x88, $3  }
0x1: {  	(tag) =	ssettag $0x0;
	lr =	simm.s32 $0x1  }
0x2: {  	[smem:$0x3F9D] =	sst lr;
	_ =	strace $0xD0000000  }
0x3: {  	_ = 	snop  }
0x4: {  	_ = 	snop  }
0x5: {  	_ = 	snop  }
0x6: {  	_ = 	snop  }
0x7: {  	_ = 	snop  }
__scs_overlays_trampoline_lowered:
0x8: {  	[smem:$0x3FAC] =	sst s0  }
0x9: {  	[smem:$0x3FAD] =	sst s1  }
0xa: {  	[smem:$0x3FAE] =	sst s2  }
0xb: {  	[smem:$0x3FAF] =	sst s3  }
0xc: {  	[smem:$0x3FB0] =	sst s4  }
0xd: {  	[smem:$0x3FB1] =	sst s5  }
0xe: {  	[smem:$0x3FB2] =	sst s6  }
0xf: {  	[smem:$0x3FB3] =	sst s7  }
0x10: {  	[smem:$0x3FB4] =	sst s8  }
0x11: {  	[smem:$0x3FB5] =	sst s9;
	s0 =	simm.s32 @!p0 $0x0  }
0x12: {  	s1 =	sld [smem:$0x3F9B];
	s0 =	simm.s32 @p0 $0x1  }
0x13: {  	[smem:$0x3FB6] =	sst s0;
	s0 =	simm.s32 @!p1 $0x0  }
0x14: {  	s2 =	sld [smem:$0x3F9A];
	s0 =	simm.s32 @p1 $0x1  }
0x15: {  	[smem:$0x3FB7] =	sst s0;
	s0 =	simm.s32 @!p2 $0x0  }
0x16: {  	s3 =	sld [smem:$0x3FDB];
	s0 =	simm.s32 @p2 $0x1  }
0x17: {  	s4 =	simm.s32 $0x1BF5;
	[smem:$0x3FB9] =	sst s0  }
0x18: {  	s0 =	sld [smem:$0x3F9C];
	_ =	swait.ge [sflag:s4], $0x0  }
0x19: {  	s7 =	sld [smem:$0x3F9D]  }
0x1a: {  	s8 =	sadd.s32 $0xFFFFE003, lr  }
0x1b: {  	s9 =	sadd.s32 $0xFFFFFEF7, lr;
	s5 =	simm.s32 $0xFFFFFFFF;
	p2 =	slt.u32 s8, $0xFFFFF086  }
0x1c: {  	p1 =	slt.u32 s9, $0xF7A;
	s5 =	simm.s32 @!p2 $0x0  }
0x1d: {  	s5 =	simm.s32 @p1 $0x1;
	p0 =	seq.s32 s7, s2  }
0x1e: {  	s7 =	smul.u32 @!p0 $0xF7A, s2;
	p2 =	seq.s32 @!p0 s5, $0x0  }
0x1f: {  	s9 =	smul.u32 $0xF7A, s1;
	s8 =	simm.s32 @!p0 $0x1BF5;
	p2 =	por !p2, p0  }
0x20: {  	[sflag:s8] =	ssyncset.s32 @!p0 $0xFFFFF086;
	s6 =	sadd.s32 @!p0 s3, s7;
	s7 =	simm.s32 @!p0 $0x108  }
0x21: {  	s3 =	sadd.s32 s3, s9;
	s6 =	sadd.s32 @!p0 $0x88, s6;
	s7 =	simm.s32 @p2 $0x1082  }
0x22: {  	[simem:s7], [sflag:s8] =	dma.local @!p0 [hbm:s6], $0xF7A  }
0x23: {  	s9 =	sor.u32 $0xD0000000, s2;
	s6 =	simm.s32 $0x108;
	_ =	swait.ge @!p0 [sflag:s8], $0x0  }
0x24: {  	s3 =	sadd.s32 $0x88, s3;
	s6 =	simm.s32 @!p1 $0x1082;
	[sflag:s4] =	ssyncset.s32 $0xFFFFF086  }
0x25: {  	[simem:s6], [sflag:s4] =	dma.local [hbm:s3], $0xF7A  }
0x26: {  	[smem:$0x3F9D] =	sst s1;
	(tag) =	ssettag s2;
	_ =	strace s9  }
0x27: {  	s1 =	sld [smem:$0x3FAD]  }
0x28: {  	s2 =	sld [smem:$0x3FAE]  }
0x29: {  	s4 =	sld [smem:$0x3FB0]  }
0x2a: {  	p0 =	seq.s32 s5, $0x0;
	s5 =	sld [smem:$0x3FB1]  }
0x2b: {  	s6 =	sld [smem:$0x3FB2]  }
0x2c: {  	s7 =	sld [smem:$0x3FB3]  }
0x2d: {  	s3 =	simm.s32 $0x108;
	s8 =	sld [smem:$0x3FB4]  }
0x2e: {  	s3 =	simm.s32 @!p0 $0x1082;
	s9 =	sld [smem:$0x3FB5]  }
0x2f: {  	lr =	sadd.s32 s0, s3;
	s0 =	sld [smem:$0x3FAC]  }
0x30: {  	s3 =	sld [smem:$0x3FAF]  }
0x31: {  	[smem:$0x3FB8] =	sst s10  }
0x32: {  	s10 =	sld [smem:$0x3FB6];
	_ =	sdelay $0x3  }
0x33: {  	p0 =	seq.s32 s10, $0x1;
	s10 =	sld [smem:$0x3FB8];
	_ =	sdelay $0x3  }
0x34: {  	[smem:$0x3FB8] =	sst s10  }
0x35: {  	s10 =	sld [smem:$0x3FB7];
	_ =	sdelay $0x3  }
0x36: {  	p1 =	seq.s32 s10, $0x1;
	s10 =	sld [smem:$0x3FB8];
	_ =	sdelay $0x3  }
0x37: {  	[smem:$0x3FB8] =	sst s10  }
0x38: {  	s10 =	sld [smem:$0x3FB9]  }
0x39: {  	_ = 	snop;
	(pc) =	sbr.ind lr, $3  }
0x3a: {  	_ = 	snop  }
0x3b: {  	_ = 	snop  }
0x3c: {  	p2 =	seq.s32 s10, $0x1;
	s10 =	sld [smem:$0x3FB8]  }
0x3d: {  	_ =	shalt  }
0x3e: {  	_ =	shalt  }
0x3f: {  	_ =	shalt  }
0x40: {  	_ =	shalt  }
0x41: {  	_ =	shalt  }
0x42: {  	_ =	shalt  }
0x43: {  	_ =	shalt  }
0x44: {  	_ =	shalt  }
0x45: {  	_ =	shalt  }
0x46: {  	_ =	shalt  }
0x47: {  	_ =	shalt  }
0x48: {  	_ =	shalt  }
0x49: {  	_ =	shalt  }
0x4a: {  	_ =	shalt  }
0x4b: {  	_ =	shalt  }
0x4c: {  	_ =	shalt  }
0x4d: {  	_ =	shalt  }
0x4e: {  	_ =	shalt  }
0x4f: {  	_ =	shalt  }
0x50: {  	_ =	shalt  }
0x51: {  	_ =	shalt  }
0x52: {  	_ =	shalt  }
0x53: {  	_ =	shalt  }
0x54: {  	_ =	shalt  }
0x55: {  	_ =	shalt  }
0x56: {  	_ =	shalt  }
0x57: {  	_ =	shalt  }
0x58: {  	_ =	shalt  }
0x59: {  	_ =	shalt  }
0x5a: {  	_ =	shalt  }
0x5b: {  	_ =	shalt  }
0x5c: {  	_ =	shalt  }
0x5d: {  	_ =	shalt  }
0x5e: {  	_ =	shalt  }
0x5f: {  	_ =	shalt  }
0x60: {  	_ =	shalt  }
0x61: {  	_ =	shalt  }
0x62: {  	_ =	shalt  }
0x63: {  	_ =	shalt  }
0x64: {  	_ =	shalt  }
0x65: {  	_ =	shalt  }
0x66: {  	_ =	shalt  }
0x67: {  	_ =	shalt  }
0x68: {  	_ =	shalt  }
0x69: {  	_ =	shalt  }
0x6a: {  	_ =	shalt  }
0x6b: {  	_ =	shalt  }
0x6c: {  	_ =	shalt  }
0x6d: {  	_ =	shalt  }
0x6e: {  	_ =	shalt  }
0x6f: {  	_ =	shalt  }
0x70: {  	_ =	shalt  }
0x71: {  	_ =	shalt  }
0x72: {  	_ =	shalt  }
0x73: {  	_ =	shalt  }
0x74: {  	_ =	shalt  }
0x75: {  	_ =	shalt  }
0x76: {  	_ =	shalt  }
0x77: {  	_ =	shalt  }
0x78: {  	_ =	shalt  }
0x79: {  	_ =	shalt  }
0x7a: {  	_ =	shalt  }
0x7b: {  	_ =	shalt  }
0x7c: {  	_ =	shalt  }
0x7d: {  	_ =	shalt  }
0x7e: {  	_ =	shalt  }
0x7f: {  	_ =	shalt  }
0x80: {  	_ =	shalt  }
0x81: {  	_ =	shalt  }
0x82: {  	_ =	shalt  }
0x83: {  	_ =	shalt  }
0x84: {  	_ =	shalt  }
0x85: {  	_ =	shalt  }
0x86: {  	_ =	shalt  }
0x87: {  	_ =	shalt  }
.Lfunc_end0:
.L_simem_size_0:
called_computation.3_lowered:
.L_overlay_start_0:
0x88: {  	s2 =	sld [smem:$0x3FD9]  }
0x89: {  	s3 =	sld [smem:$0x3FFE];
	_ =	sdelay $0x1  }
0x8a: {  	s1 =	srdreg.scid  }
0x8b: {  	s0 =	sand.u32 $0x1, s1  }
0x8c: {  	s14 =	sshll.u32 s0, $0xA;
	s2 =	sadd.s32 s3, s2  }
0x8d: {  	s2 =	sadd.s32 s2, s14  }
0x8e: {  	[smem:$0x3FC4] =	sst s2  }
0x8f: {  	_ = 	snop  }
0x90: {  	s2 =	sld [smem:$0x3FD0];
	_ =	sdelay $0x3  }
0x91: {  	s15 =	simm.s32 $0xA;
	s4 =	simm.s32 $0x10;
	s2 =	sadd.s32 $0x1, s2  }
0x92: {  	[smem:s4], [sflag:s15] =	dma.local [hbm:s2], $0x1  }
0x93: {  	_ =	swait.eq [sflag:s15], $0x1  }
0x94: {  	[sflag:s15] =	ssyncset.done $0x0  }
0x95: {  	[sflag:s15] =	ssyncadd.s32 $0xFFFFFFFF  }
0x96: {  	s16 =	sld [smem:$0x13];
	(tm) =	ssettm $0x1  }
0x97: {  	s17 =	sld [smem:$0x3FFB];
	_ =	sdelay $0x3  }
0x98: {  	_ =	strace s17  }
0x99: {  	s3 =	sld [smem:$0x3FFC];
	_ =	sdelay $0x3  }
0x9a: {  	_ =	strace s3  }
0x9b: {  	s3 =	sld [smem:$0x3FFD];
	_ =	sdelay $0x3  }
0x9c: {  	_ =	strace s3  }
0x9d: {  	_ =	strace $0x8FFFFFFF  }
0x9e: {  	s18 =	sld [smem:$0x3FDB];
	_ =	sdelay $0x1  }
0x9f: {  	s19 =	simm.s32 $_scs_section_size  }
0xa0: {  	s5 =	simm.s32 $_size__tile_overlayer_lowered;
	s6 =	simm.s32 $_tile_overlayer_lowered  }
0xa1: {  	s22 =	simm.s32 $0x1BFF;
	s21 =	sshll.u32 s6, $0x1;
	s3 =	sadd.s32 s19, s18  }
0xa2: {  	s7 =	simm.s32 $0x0;
	s20 =	sshll.u32 s5, $0x1;
	s5 =	sadd.s32 s21, s3  }
0xa3: {  	[timem:s7], [sflag:s22] =	dma.local [hbm:s5], s20  }
0xa4: {  	_ =	swait.ge [sflag:s22], s20  }
0xa5: {  	s4 =	ssub.s32 $0x0, s20;
	[sflag:s22] =	ssyncset.done $0x0  }
0xa6: {  	[sflag:s22] =	ssyncadd.s32 s4;
	_ =	sdelay $0x1  }
0xa7: {  	s23 =	simm.s32 $0x1B8B  }
0xa8: {  	_ =	swait.ge [sflag:s23], $0x1  }
0xa9: {  	[sflag:s23] =	ssyncset.done $0x0  }
0xaa: {  	s25 =	simm.s32 $0x1B8E;
	s24 =	sld [smem:$0x3FFE];
	[sflag:s23] =	ssyncadd.s32 $0xFFFFFFFF  }
0xab: {  	s26 =	simm.s32 $execute0_lowered;
	[smem:$0x3FD2] =	sst s25  }
0xac: {  	s5 =	sshll.u32 s26, $0x1;
	_ =	strace $0x8000004F;
	[dreg:$0x1] =	wrdreg $0xFFFFFFFF  }
0xad: {  	s28 =	simm.s32 $_size_execute0_lowered;
	s3 =	sadd.s32 s3, s5;
	[dreg:$0x0] =	wrdreg $0x0  }
0xae: {  	s5 =	sshll.u32 s28, $0x1;
	[dreg:$0x2] =	wrdreg s3  }
0xaf: {  	[dreg:$0x3] =	wrdreg s5  }
0xb0: {  	[dreg:$0x4] =	wrdreg $0xC0  }
0xb1: {  	_ =	task [dreg:s7], $0x5FFFF  }
0xb2: {  	[dreg:$0x1] =	wrdreg $0xFFFFFFFF  }
0xb3: {  	[dreg:$0x0] =	wrdreg $0x60  }
0xb4: {  	[dreg:$0x2] =	wrdreg s24  }
0xb5: {  	[dreg:$0x3] =	wrdreg s16  }
0xb6: {  	[dreg:$0x4] =	wrdreg $0x9  }
0xb7: {  	_ =	task.clear_ibuf [dreg:s7], $0x5FFFF;
	_ =	strace $0x9000004F  }
0xb8: {  	s29 =	simm.s32 $0x9;
	_ =	strace $0x80000051  }
0xb9: {  	_ =	swait.ge [sflag:s29], $0x1  }
0xba: {  	[sflag:s29] =	ssyncadd.s32 $0xFFFFFFFF  }
0xbb: {  	_ =	strace $0x90000051  }
0xbc: {  	_ =	sfence  }
0xbd: {  	s30 =	sld [smem:$0x0];
	_ =	sdelay $0x2  }
0xbe: {  	s31 =	sshll.u32 s1, $0xD;
	s1 =	sshrl.u32 s1, $0x2  }
0xbf: {  	s3 =	sand.u32 $0x4000, s31;
	s1 =	sadd.s32 s1, s30  }
0xc0: {  	s0 =	sor.u32 s3, s0;
	s1 =	sshll.u32 s1, $0x11  }
0xc1: {  	s0 =	sor.u32 s1, s0  }
0xc2: {  	s0 =	sadd.s32 $0x8F2B, s0  }
0xc3: {  	[sflag:s0] =	ssyncadd.remote.s32 $0x1  }
0xc4: {  	_ =	sfence.sel $0xFFFF  }
0xc5: {  	[dreg:$0x0] =	wrdreg $0xFFFFFFFF;
	(pc) =	sbr.abs _section_cstart, $3  }
0xc6: {  	[dreg:$0x1] =	wrdreg $0xFFFFFFFF  }
0xc7: {  	_ =	task.clear_ibuf [dreg:s7], $0x2FFFF;
	_ =	strace $0x9FFFFFFF  }
0xc8: {  	(tm) =	ssettm $0x7FFFFFFF  }
0xc9: {  	_ =	shalt  }
tec
execute0_lowered:
.L_overlay_start_1:
0x0: {  	(tag) =	ssettag $0x1  }
0x1: {  	s0 =	srdreg.scid  }
0x2: {  	s1 =	sshll.u32 s0, $0x4  }
0x3: {  	s0 =	stileid.u32;
	s1 =	sand.u32 $0x10, s1  }
0x4: {  	s2 =	sor.u32 s0, s1  }
0x5: {  	s1 =	smin.u32 s2, $0x14  }
0x6: {  	s1 =	sadd.s32 s2, s1  }
0x7: {  	p0 =	slt.u32 s2, $0x14;
	s2 =	simm.s32 $0xD0;
	s1 =	smul.u32 $0x68, s1  }
0x8: {  	s2 =	simm.s32 @!p0 $0x68  }
0x9: {  	s2 =	sadd.s32 s2, s1  }
0xa: {  	s3 =	smin.u32 s2, $0x1520  }
0xb: {  	s7 =	ssub.s32 s3, s1  }
0xc: {  	p0 =	sgt.s32 s7, $0x0  }
0xd: {  	s7 =	simm.s32 @!p0 $0x0  }
0xe: {  	s9 =	rddreg [dreg:$0x0];
	s31 =	smul.u32 $0x4EC5, s7  }
0xf: {  	s4 =	rddreg [dreg:$0x1];
	s6 =	simm.s32 $0x1  }
0x10: {  	s11 =	simm.s32 $0x3;
	s13 =	simm.s32 $0x0;
	s8 =	sshrl.u32 s31, $0x15  }
0x11: {  	s12 =	simm.s32 $0x0;
	s5 =	sadd.s32 $0xE00, s9;
	s10 =	smul.u32 $0x68, s8  }
.Ltmp0:
0x12: {  	s9 =	sadd.s32 $0x40E00, s9;
	s2 =	rddreg [dreg:$0x2];
	(pc) =	sbr.rel .LBB2_1-.Ltmp0, $4  }
0x13: {  	_ =	strace $0x80000050;
	p0 =	sne.s32 s7, s10;
	s10 =	simm.s32 $0x1  }
0x14: {  	[sflag:s6] =	ssyncpa.u1 $0x0;
	s7 =	simm.s32 $0x2;
	s10 =	simm.s32 @!p0 $0x0  }
0x15: {  	[sflag:s7] =	ssyncpa.u1 $0x0;
	p0 =	por $0x0, $0x0;
	s8 =	sadd.s32 s8, s10  }
0x16: {  	vm0 =	vmmov $0xff;
	vm1 =	vcmask $0x3F20;
	[sflag:s11] =	ssyncpa.u1 $0x0;
	s11 =	smov.u32 s1;
	s10 =	sadd.s32 $0x1, s8  }
.LBB2_6:
0x17: {  	[hbm:s17] =	stream.linear.scatter [tilespmem:s14], [sflag:$0x3], $0x400, $0x38;
	[tilespmem:$0x68D0] =	vst v63  }
.LBB2_7:
0x18: {  	s13 =	sadd.s32 $0x68, s11  }
0x19: {  	s15 =	smov.u32 s1;
	p2 =	slt.s32 s13, s3  }
0x1a: {  	s15 =	smov.u32 @p2 s13;
	p2 =	sne.s32 s12, s10  }
.Ltmp1:
0x1b: {  	p1 =	slt.u32 s12, $0x2;
	(pc) =	sbr.rel @!p2 .LBB2_8-.Ltmp1, $4  }
0x1c: {  	s14 =	simm.s32 @!p1 $0x3  }
0x1d: {  	s16 =	sadd.s32 $0x1, s12;
	_ =	swait.ge @!p1 [sflag:s14], $0x3400  }
0x1e: {  	p0 =	por !p0, !p0;
	s13 =	smov.u32 s11;
	[sflag:s14] =	ssyncset.done @!p1 $0x0  }
0x1f: {  	s12 =	smov.u32 s16;
	s11 =	smov.u32 s15;
	[sflag:s14] =	ssyncadd.s32 @!p1 $0xFFFFCC00  }
.LBB2_1:
0x20: {  	p1 =	sge.u32 s12, s8  }
0x21: {  	s14 =	sxor.u32 @!p1 $0xFFFFFFFF, s12  }
0x22: {  	s14 =	sand.u32 @!p1 $0x1, s14  }
0x23: {  	s14 =	smul.u32 @!p1 $0x1A0, s14  }
0x24: {  	s31 =	sadd.s32 $0xFFFFFFFF, s12;
	s15 =	sshrl.u32 @!p1 s11, $0x3  }
0x25: {  	s16 =	sand.u32 @!p1 $0x7, s11;
	s15 =	sadd.s32 @!p1 s4, s15;
	s14 =	sshrl.u32 @!p1 s14, $0x2  }
0x26: {  	[tilespmem:s14], [sflag:$0x2] =	stream.linear.gather @!p1 [hbm4b:s15+s16], $0x68, $0x38;
	[tilespmem:$0x68D0] =	vst v63  }
0x27: {  	p1 =	sge.u32 s31, s8  }
.Ltmp2:
0x28: {  	_ = 	snop;
	(pc) =	sbr.rel @p1 .LBB2_7-.Ltmp2, $1  }
0x29: {  	_ =	sdelay $0x3  }
0x2a: {  	s14 =	simm.s32 $0x1  }
0x2b: {  	s14 =	simm.s32 @!p0 $0x0  }
0x2c: {  	s15 =	smul.u32 $0x1A0, s14  }
0x2d: {  	_ =	swait.ge [sflag:s7], $0x68  }
0x2e: {  	[sflag:s7] =	ssyncset.done $0x0;
	s16 =	sshrl.u32 s15, $0x2  }
0x2f: {  	[sflag:s7] =	ssyncadd.s32 $0xFFFFFF98;
	s15 =	sadd.s32 $0x0, s16  }
0x30: {  	v0 =	vld.msk [tilespmem:s15+$0x0 ss:$0x1], $0xffff;
	_ =	sdelay $0x4  }
0x31: {  	vm2 =	vgt.s32 v0, $0x0  }
0x32: {  	v0 =	vnsel vm2, $0x0, v0  }
0x33: {  	v0 =	vmin.u32 v0, $0x1FFF  }
0x34: {  	v0 =	vshll.u32 v0, $0x4  }
0x35: {  	s14 =	smul.u32 $0xD000, s14  }
0x36: {  	s31 =	sand.u32 $0x1, s12  }
0x37: {  	s17 =	smul.u32 $0x1A0, s31;
	s14 =	sshrl.u32 s14, $0x2  }
0x38: {  	s19 =	smul.u32 $0xD000, s31;
	s14 =	sor.u32 $0xD0, s14  }
0x39: {  	[tilespmem:s14], [sflag:$0x1] =	stream.indirect_vreg.gather [hbm:s5], $0x80, v0, vm0, $0x38;
	[tilespmem:$0x68D0] =	vst v63  }
0x3a: {  	s18 =	sshrl.u32 s17, $0x2;
	s20 =	sadd.s32 $0x10, s16;
	s15 =	sadd.s32 $0x400, s14  }
0x3b: {  	[tilespmem:s15], [sflag:$0x1] =	stream.indirect_vreg.gather [hbm:s5], $0x80, v0, vm1, $0x38;
	[tilespmem:$0x68D0] =	vst v63  }
0x3c: {  	s17 =	sshrl.u32 s19, $0x2;
	s19 =	smov.u32 s14;
	v0 =	vld.msk [tilespmem:s20+$0x0 ss:$0x1], $0xffff;
	s20 =	simm.s32 $0x80  }
.LBB2_3:
0x3d: {  	p1 =	sne.s32 s20, $0x140;
	_ =	sdelay $0x4  }
0x3e: {  	vm2 =	vgt.s32 v0, $0x0  }
0x3f: {  	v0 =	vnsel vm2, $0x0, v0  }
0x40: {  	v0 =	vmin.u32 v0, $0x1FFF  }
0x41: {  	v0 =	vshll.u32 v0, $0x4;
	_ =	sdelay $0x3  }
.Ltmp3:
0x42: {  	s21 =	sshra.s32 s20, $0x2;
	s19 =	sadd.s32 $0x800, s19;
	(pc) =	sbr.rel @p1 .LBB2_3-.Ltmp3, $4  }
0x43: {  	[tilespmem:s19], [sflag:$0x1] =	stream.indirect_vreg.gather [hbm:s5], $0x80, v0, vm0, $0x38;
	[tilespmem:$0x68D0] =	vst v63  }
0x44: {  	s21 =	sadd.s32 s21, s16;
	s22 =	sadd.s32 $0x400, s19  }
0x45: {  	[tilespmem:s22], [sflag:$0x1] =	stream.indirect_vreg.gather [hbm:s5], $0x80, v0, vm1, $0x38;
	[tilespmem:$0x68D0] =	vst v63  }
0x46: {  	s20 =	sadd.s32 $0x40, s20;
	v0 =	vld.msk [tilespmem:s21+$0x0 ss:$0x1], $0xffff  }
0x47: {  	_ =	sdelay $0x3  }
0x48: {  	vm2 =	vgt.s32 v0, $0x0  }
0x49: {  	v0 =	vnsel vm2, $0x0, v0  }
0x4a: {  	v0 =	vmin.u32 v0, $0x1FFF  }
0x4b: {  	v0 =	vshll.u32 v0, $0x4;
	_ =	sdelay $0x3  }
0x4c: {  	s16 =	sadd.s32 $0x800, s19  }
0x4d: {  	[tilespmem:s16], [sflag:$0x1] =	stream.indirect_vreg.gather [hbm:s5], $0x80, v0, vm0, $0x38;
	[tilespmem:$0x68D0] =	vst v63  }
0x4e: {  	s16 =	sadd.s32 $0x400, s16  }
0x4f: {  	[tilespmem:s16], [sflag:$0x1] =	stream.indirect_vreg.gather [hbm:s5], $0x80, v0, vm1, $0x38;
	[tilespmem:$0x68D0] =	vst v63  }
0x50: {  	v0 =	vld.msk [tilespmem:s18+$0x60 ss:$0x1], $0xff;
	_ =	sdelay $0x4  }
0x51: {  	vm2 =	vgt.s32 v0, $0x0  }
0x52: {  	v0 =	vnsel vm2, $0x0, v0  }
0x53: {  	v0 =	vmin.u32 v0, $0x1FFF  }
0x54: {  	v0 =	vshll.u32 v0, $0x4;
	_ =	sdelay $0x3  }
0x55: {  	s31 =	sadd.s32 $0x30D0, s17  }
0x56: {  	[tilespmem:s31], [sflag:$0x1] =	stream.indirect_vreg.gather [hbm:s5], $0x80, v0, vm0, $0x38;
	[tilespmem:$0x68D0] =	vst v63  }
0x57: {  	s13 =	sshll.u32 s13, $0x4;
	_ =	swait.ge [sflag:s6], $0x3400  }
0x58: {  	s13 =	sadd.s32 s13, s9;
	[sflag:s6] =	ssyncset.done $0x0  }
0x59: {  	s17 =	sadd.s32 $0x0, s13;
	s16 =	simm.s32 $0x80;
	[sflag:s6] =	ssyncadd.s32 $0xFFFFCC00  }
.LBB2_5:
0x5a: {  	[hbm:s17] =	stream.linear.scatter [tilespmem:s14], [sflag:$0x3], $0x400, $0x38;
	[tilespmem:$0x68D0] =	vst v63  }
0x5b: {  	s17 =	smov.u32 s16;
	s14 =	smov.u32 s15;
	p1 =	sne.s32 s16, $0x600  }
.Ltmp4:
0x5c: {  	s16 =	sadd.s32 $0x80, s16;
	(pc) =	sbr.rel @p1 .LBB2_5-.Ltmp4, $2  }
0x5d: {  	_ =	sdelay $0x2  }
0x5e: {  	s15 =	sadd.s32 $0x400, s15;
	s17 =	sadd.s32 s17, s13  }
.Ltmp5:
0x5f: {  	_ = 	snop;
	(pc) =	sbr.rel .LBB2_6-.Ltmp5, $1  }
0x60: {  	_ =	sdelay $0x3  }
.LBB2_8:
0x61: {  	_ =	sfence.sel $0x180000  }
0x62: {  	s1 =	simm.s32 $0x2;
	[bflag:$0x0] =	sbarrier.arrive $0xFFFF  }
0x63: {  	s30 =	simm.s32 $0x3;
	[sflag:s1] =	ssyncpa.u1 $0x1  }
0x64: {  	s31 =	simm.s32 $0x1;
	[sflag:s30] =	ssyncpa.u1 $0x1  }
0x65: {  	[sflag:s31] =	ssyncpa.u1 $0x1  }
0x66: {  	p0 =	sne.s32 s0, $0x0;
	_ =	strace $0x90000050  }
0x67: {  	s0 =	sadd.s32 @!p0 $0x100000, s2;
	[bflag:$0x2] =	sbarrier.arrive $0xFFFF  }
0x68: {  	[sflag:s0] =	ssyncadd.tile.s32 @!p0 $0x1;
	_ =	shalt  }
.Lfunc_end2:
_tile_overlayer_lowered:
.L_overlay_start_2:
0x69: {  	(tag) =	ssettag $0x2  }
0x6a: {  	s0 =	rddreg [dreg:$0x0];
	s2 =	stileid.u32  }
0x6b: {  	s1 =	rddreg [dreg:$0x1];
	p0 =	sne.s32 s2, $0x0  }
0x6c: {  	s3 =	rddreg [dreg:$0x2];
	[bflag:$0x3] =	sbarrier.arrive $0xFFFF;
	s2 =	simm.s32 @!p0 $0x1C01  }
0x6d: {  	[timem:s3], [sflag:s2] =	dma.local @!p0 [hbm:s0], s1  }
0x6e: {  	s0 =	simm.s32 @!p0 $0x1  }
0x6f: {  	_ =	swait.ge @!p0 [sflag:s0], s1  }
0x70: {  	s1 =	ssub.s32 @!p0 $0x0, s1;
	[sflag:s0] =	ssyncset.done @!p0 $0x0  }
0x71: {  	[sflag:s0] =	ssyncadd.s32 @!p0 s1  }
0x72: {  	[bflag:$0x3] =	sbarrier.arrive $0xFFFF  }
0x73: {  	_ =	shalt  }

// kernel: gather_offload_async_start.4
scs
__scs_entry_jumppad:
0x0: {  	(pc) =	sbr.rel $0x88, $3  }
0x1: {  	(tag) =	ssettag $0x0;
	lr =	simm.s32 $0x1  }
0x2: {  	[smem:$0x3F9D] =	sst lr;
	_ =	strace $0xD0000000  }
0x3: {  	_ = 	snop  }
0x4: {  	_ = 	snop  }
0x5: {  	_ = 	snop  }
0x6: {  	_ = 	snop  }
0x7: {  	_ = 	snop  }
__scs_overlays_trampoline_lowered:
0x8: {  	[smem:$0x3FAC] =	sst s0  }
0x9: {  	[smem:$0x3FAD] =	sst s1  }
0xa: {  	[smem:$0x3FAE] =	sst s2  }
0xb: {  	[smem:$0x3FAF] =	sst s3  }
0xc: {  	[smem:$0x3FB0] =	sst s4  }
0xd: {  	[smem:$0x3FB1] =	sst s5  }
0xe: {  	[smem:$0x3FB2] =	sst s6  }
0xf: {  	[smem:$0x3FB3] =	sst s7  }
0x10: {  	[smem:$0x3FB4] =	sst s8  }
0x11: {  	[smem:$0x3FB5] =	sst s9;
	s0 =	simm.s32 @!p0 $0x0  }
0x12: {  	s1 =	sld [smem:$0x3F9B];
	s0 =	simm.s32 @p0 $0x1  }
0x13: {  	[smem:$0x3FB6] =	sst s0;
	s0 =	simm.s32 @!p1 $0x0  }
0x14: {  	s2 =	sld [smem:$0x3F9A];
	s0 =	simm.s32 @p1 $0x1  }
0x15: {  	[smem:$0x3FB7] =	sst s0;
	s0 =	simm.s32 @!p2 $0x0  }
0x16: {  	s3 =	sld [smem:$0x3FDB];
	s0 =	simm.s32 @p2 $0x1  }
0x17: {  	s4 =	simm.s32 $0x1BF5;
	[smem:$0x3FB9] =	sst s0  }
0x18: {  	s0 =	sld [smem:$0x3F9C];
	_ =	swait.ge [sflag:s4], $0x0  }
0x19: {  	s7 =	sld [smem:$0x3F9D]  }
0x1a: {  	s8 =	sadd.s32 $0xFFFFE003, lr  }
0x1b: {  	s9 =	sadd.s32 $0xFFFFFEF7, lr;
	s5 =	simm.s32 $0xFFFFFFFF;
	p2 =	slt.u32 s8, $0xFFFFF086  }
0x1c: {  	p1 =	slt.u32 s9, $0xF7A;
	s5 =	simm.s32 @!p2 $0x0  }
0x1d: {  	s5 =	simm.s32 @p1 $0x1;
	p0 =	seq.s32 s7, s2  }
0x1e: {  	s7 =	smul.u32 @!p0 $0xF7A, s2;
	p2 =	seq.s32 @!p0 s5, $0x0  }
0x1f: {  	s9 =	smul.u32 $0xF7A, s1;
	s8 =	simm.s32 @!p0 $0x1BF5;
	p2 =	por !p2, p0  }
0x20: {  	[sflag:s8] =	ssyncset.s32 @!p0 $0xFFFFF086;
	s6 =	sadd.s32 @!p0 s3, s7;
	s7 =	simm.s32 @!p0 $0x108  }
0x21: {  	s3 =	sadd.s32 s3, s9;
	s6 =	sadd.s32 @!p0 $0x88, s6;
	s7 =	simm.s32 @p2 $0x1082  }
0x22: {  	[simem:s7], [sflag:s8] =	dma.local @!p0 [hbm:s6], $0xF7A  }
0x23: {  	s9 =	sor.u32 $0xD0000000, s2;
	s6 =	simm.s32 $0x108;
	_ =	swait.ge @!p0 [sflag:s8], $0x0  }
0x24: {  	s3 =	sadd.s32 $0x88, s3;
	s6 =	simm.s32 @!p1 $0x1082;
	[sflag:s4] =	ssyncset.s32 $0xFFFFF086  }
0x25: {  	[simem:s6], [sflag:s4] =	dma.local [hbm:s3], $0xF7A  }
0x26: {  	[smem:$0x3F9D] =	sst s1;
	(tag) =	ssettag s2;
	_ =	strace s9  }
0x27: {  	s1 =	sld [smem:$0x3FAD]  }
0x28: {  	s2 =	sld [smem:$0x3FAE]  }
0x29: {  	s4 =	sld [smem:$0x3FB0]  }
0x2a: {  	p0 =	seq.s32 s5, $0x0;
	s5 =	sld [smem:$0x3FB1]  }
0x2b: {  	s6 =	sld [smem:$0x3FB2]  }
0x2c: {  	s7 =	sld [smem:$0x3FB3]  }
0x2d: {  	s3 =	simm.s32 $0x108;
	s8 =	sld [smem:$0x3FB4]  }
0x2e: {  	s3 =	simm.s32 @!p0 $0x1082;
	s9 =	sld [smem:$0x3FB5]  }
0x2f: {  	lr =	sadd.s32 s0, s3;
	s0 =	sld [smem:$0x3FAC]  }
0x30: {  	s3 =	sld [smem:$0x3FAF]  }
0x31: {  	[smem:$0x3FB8] =	sst s10  }
0x32: {  	s10 =	sld [smem:$0x3FB6];
	_ =	sdelay $0x3  }
0x33: {  	p0 =	seq.s32 s10, $0x1;
	s10 =	sld [smem:$0x3FB8];
	_ =	sdelay $0x3  }
0x34: {  	[smem:$0x3FB8] =	sst s10  }
0x35: {  	s10 =	sld [smem:$0x3FB7];
	_ =	sdelay $0x3  }
0x36: {  	p1 =	seq.s32 s10, $0x1;
	s10 =	sld [smem:$0x3FB8];
	_ =	sdelay $0x3  }
0x37: {  	[smem:$0x3FB8] =	sst s10  }
0x38: {  	s10 =	sld [smem:$0x3FB9]  }
0x39: {  	_ = 	snop;
	(pc) =	sbr.ind lr, $3  }
0x3a: {  	_ = 	snop  }
0x3b: {  	_ = 	snop  }
0x3c: {  	p2 =	seq.s32 s10, $0x1;
	s10 =	sld [smem:$0x3FB8]  }
0x3d: {  	_ =	shalt  }
0x3e: {  	_ =	shalt  }
0x3f: {  	_ =	shalt  }
0x40: {  	_ =	shalt  }
0x41: {  	_ =	shalt  }
0x42: {  	_ =	shalt  }
0x43: {  	_ =	shalt  }
0x44: {  	_ =	shalt  }
0x45: {  	_ =	shalt  }
0x46: {  	_ =	shalt  }
0x47: {  	_ =	shalt  }
0x48: {  	_ =	shalt  }
0x49: {  	_ =	shalt  }
0x4a: {  	_ =	shalt  }
0x4b: {  	_ =	shalt  }
0x4c: {  	_ =	shalt  }
0x4d: {  	_ =	shalt  }
0x4e: {  	_ =	shalt  }
0x4f: {  	_ =	shalt  }
0x50: {  	_ =	shalt  }
0x51: {  	_ =	shalt  }
0x52: {  	_ =	shalt  }
0x53: {  	_ =	shalt  }
0x54: {  	_ =	shalt  }
0x55: {  	_ =	shalt  }
0x56: {  	_ =	shalt  }
0x57: {  	_ =	shalt  }
0x58: {  	_ =	shalt  }
0x59: {  	_ =	shalt  }
0x5a: {  	_ =	shalt  }
0x5b: {  	_ =	shalt  }
0x5c: {  	_ =	shalt  }
0x5d: {  	_ =	shalt  }
0x5e: {  	_ =	shalt  }
0x5f: {  	_ =	shalt  }
0x60: {  	_ =	shalt  }
0x61: {  	_ =	shalt  }
0x62: {  	_ =	shalt  }
0x63: {  	_ =	shalt  }
0x64: {  	_ =	shalt  }
0x65: {  	_ =	shalt  }
0x66: {  	_ =	shalt  }
0x67: {  	_ =	shalt  }
0x68: {  	_ =	shalt  }
0x69: {  	_ =	shalt  }
0x6a: {  	_ =	shalt  }
0x6b: {  	_ =	shalt  }
0x6c: {  	_ =	shalt  }
0x6d: {  	_ =	shalt  }
0x6e: {  	_ =	shalt  }
0x6f: {  	_ =	shalt  }
0x70: {  	_ =	shalt  }
0x71: {  	_ =	shalt  }
0x72: {  	_ =	shalt  }
0x73: {  	_ =	shalt  }
0x74: {  	_ =	shalt  }
0x75: {  	_ =	shalt  }
0x76: {  	_ =	shalt  }
0x77: {  	_ =	shalt  }
0x78: {  	_ =	shalt  }
0x79: {  	_ =	shalt  }
0x7a: {  	_ =	shalt  }
0x7b: {  	_ =	shalt  }
0x7c: {  	_ =	shalt  }
0x7d: {  	_ =	shalt  }
0x7e: {  	_ =	shalt  }
0x7f: {  	_ =	shalt  }
0x80: {  	_ =	shalt  }
0x81: {  	_ =	shalt  }
0x82: {  	_ =	shalt  }
0x83: {  	_ =	shalt  }
0x84: {  	_ =	shalt  }
0x85: {  	_ =	shalt  }
0x86: {  	_ =	shalt  }
0x87: {  	_ =	shalt  }
.Lfunc_end0:
.L_simem_size_0:
called_computation.4_lowered:
.L_overlay_start_0:
0x88: {  	s2 =	sld [smem:$0x3FD9]  }
0x89: {  	s3 =	sld [smem:$0x3FFE];
	_ =	sdelay $0x1  }
0x8a: {  	s1 =	srdreg.scid  }
0x8b: {  	s0 =	sand.u32 $0x1, s1  }
0x8c: {  	s16 =	sshll.u32 s0, $0xA;
	s2 =	sadd.s32 s3, s2  }
0x8d: {  	s2 =	sadd.s32 s2, s16  }
0x8e: {  	[smem:$0x3FC4] =	sst s2  }
0x8f: {  	_ = 	snop  }
0x90: {  	(tm) =	ssettm $0x1  }
0x91: {  	s17 =	sld [smem:$0x3FFB];
	_ =	sdelay $0x3  }
0x92: {  	_ =	strace s17  }
0x93: {  	s2 =	sld [smem:$0x3FFC];
	_ =	sdelay $0x3  }
0x94: {  	_ =	strace s2  }
0x95: {  	s2 =	sld [smem:$0x3FFD];
	_ =	sdelay $0x3  }
0x96: {  	_ =	strace s2  }
0x97: {  	_ =	strace $0x8FFFFFFF  }
0x98: {  	s18 =	sld [smem:$0x3FDB];
	_ =	sdelay $0x1  }
0x99: {  	s19 =	simm.s32 $_scs_section_size  }
0x9a: {  	s4 =	simm.s32 $_size__tile_overlayer_lowered;
	s5 =	simm.s32 $_tile_overlayer_lowered  }
0x9b: {  	s22 =	simm.s32 $0x1BFF;
	s21 =	sshll.u32 s5, $0x1;
	s2 =	sadd.s32 s19, s18  }
0x9c: {  	s6 =	simm.s32 $0x0;
	s20 =	sshll.u32 s4, $0x1;
	s4 =	sadd.s32 s21, s2  }
0x9d: {  	[timem:s6], [sflag:s22] =	dma.local [hbm:s4], s20  }
0x9e: {  	_ =	swait.ge [sflag:s22], s20  }
0x9f: {  	s3 =	ssub.s32 $0x0, s20;
	[sflag:s22] =	ssyncset.done $0x0  }
0xa0: {  	[sflag:s22] =	ssyncadd.s32 s3;
	_ =	sdelay $0x1  }
0xa1: {  	s23 =	simm.s32 $0x1B8B  }
0xa2: {  	_ =	swait.ge [sflag:s23], $0x1  }
0xa3: {  	[sflag:s23] =	ssyncset.done $0x0  }
0xa4: {  	s25 =	simm.s32 $0x1B8E;
	s24 =	sld [smem:$0x3FFE];
	[sflag:s23] =	ssyncadd.s32 $0xFFFFFFFF  }
0xa5: {  	s26 =	simm.s32 $execute0_lowered;
	[smem:$0x3FD2] =	sst s25  }
0xa6: {  	s4 =	sshll.u32 s26, $0x1;
	_ =	strace $0x80000052;
	[dreg:$0x1] =	wrdreg $0xFFFFFFFF  }
0xa7: {  	s28 =	simm.s32 $_size_execute0_lowered;
	s2 =	sadd.s32 s2, s4;
	[dreg:$0x0] =	wrdreg $0x0  }
0xa8: {  	s4 =	sshll.u32 s28, $0x1;
	[dreg:$0x2] =	wrdreg s2  }
0xa9: {  	[dreg:$0x3] =	wrdreg s4  }
0xaa: {  	[dreg:$0x4] =	wrdreg $0xC0  }
0xab: {  	_ =	task [dreg:s6], $0x5FFFF  }
0xac: {  	[dreg:$0x1] =	wrdreg $0xFFFFFFFF  }
0xad: {  	[dreg:$0x0] =	wrdreg $0x60  }
0xae: {  	[dreg:$0x2] =	wrdreg s24  }
0xaf: {  	[dreg:$0x3] =	wrdreg $0x9  }
0xb0: {  	_ =	task.clear_ibuf [dreg:s6], $0x4FFFF;
	_ =	strace $0x90000052  }
0xb1: {  	s29 =	simm.s32 $0x9;
	_ =	strace $0x80000054  }
0xb2: {  	_ =	swait.ge [sflag:s29], $0x1  }
0xb3: {  	[sflag:s29] =	ssyncadd.s32 $0xFFFFFFFF  }
0xb4: {  	_ =	strace $0x90000054  }
0xb5: {  	_ =	sfence  }
0xb6: {  	s30 =	sld [smem:$0x0];
	_ =	sdelay $0x2  }
0xb7: {  	s31 =	sshll.u32 s1, $0xD;
	s1 =	sshrl.u32 s1, $0x2  }
0xb8: {  	s3 =	sand.u32 $0x4000, s31;
	s1 =	sadd.s32 s1, s30  }
0xb9: {  	s0 =	sor.u32 s3, s0;
	s1 =	sshll.u32 s1, $0x11  }
0xba: {  	s0 =	sor.u32 s1, s0  }
0xbb: {  	s0 =	sadd.s32 $0x8F2B, s0  }
0xbc: {  	[sflag:s0] =	ssyncadd.remote.s32 $0x1  }
0xbd: {  	_ =	sfence.sel $0xFFFF  }
0xbe: {  	[dreg:$0x0] =	wrdreg $0xFFFFFFFF;
	(pc) =	sbr.abs _section_cstart, $3  }
0xbf: {  	[dreg:$0x1] =	wrdreg $0xFFFFFFFF  }
0xc0: {  	_ =	task.clear_ibuf [dreg:s6], $0x2FFFF;
	_ =	strace $0x9FFFFFFF  }
0xc1: {  	(tm) =	ssettm $0x7FFFFFFF  }
tec
execute0_lowered:
.L_overlay_start_1:
0x0: {  	(tag) =	ssettag $0x1  }
0x1: {  	s2 =	rddreg [dreg:$0x0]  }
0x2: {  	s0 =	rddreg [dreg:$0x1]  }
0x3: {  	s1 =	srdreg.scid;
	_ =	strace $0x80000053;
	s4 =	simm.s32 $0x1  }
0x4: {  	s9 =	simm.s32 $0x3;
	s12 =	simm.s32 $0x0;
	s5 =	sshll.u32 s1, $0x4  }
.Ltmp0:
0x5: {  	s1 =	stileid.u32;
	s5 =	sand.u32 $0x10, s5;
	(pc) =	sbr.rel .LBB2_1-.Ltmp0, $4  }
0x6: {  	s10 =	simm.s32 $0x0;
	s3 =	sadd.s32 $0xE00, s2;
	s6 =	sor.u32 s1, s5  }
0x7: {  	[sflag:s4] =	ssyncpa.u1 $0x0;
	s5 =	simm.s32 $0x2;
	s6 =	sshll.u32 s6, $0x8  }
0x8: {  	s7 =	sadd.s32 $0xE0E00, s2;
	[sflag:s5] =	ssyncpa.u1 $0x0;
	s8 =	sadd.s32 $0x100, s6  }
0x9: {  	vm0 =	vmmov $0xff;
	vm1 =	vcmask $0x3F20;
	[sflag:s9] =	ssyncpa.u1 $0x0;
	s9 =	simm.s32 $0x100;
	s11 =	smov.u32 s6  }
.LBB2_9:
0xa: {  	p0 =	seq.s32 s10, $0x2  }
.Ltmp1:
0xb: {  	_ = 	snop;
	(pc) =	sbr.rel @p0 .LBB2_11-.Ltmp1, $1  }
0xc: {  	_ =	sdelay $0x3  }
.LBB2_10:
0xd: {  	s12 =	sadd.s32 $0x100, s11  }
0xe: {  	s13 =	smov.u32 s6;
	p0 =	slt.s32 s12, s8  }
0xf: {  	s13 =	smov.u32 @p0 s12  }
0x10: {  	s10 =	sadd.s32 $0x1, s10;
	s12 =	smov.u32 s11;
	s11 =	smov.u32 s13  }
.LBB2_1:
0x11: {  	p0 =	sne.s32 s10, $0x0  }
.Ltmp2:
0x12: {  	_ = 	snop;
	(pc) =	sbr.rel @!p0 .LBB2_2-.Ltmp2, $1  }
0x13: {  	_ =	sdelay $0x3  }
0x14: {  	s13 =	sand.u32 $0x1, s10  }
0x15: {  	p0 =	seq.s32 s13, $0x0  }
.Ltmp3:
0x16: {  	_ = 	snop;
	(pc) =	sbr.rel @p0 .LBB2_9-.Ltmp3, $1  }
0x17: {  	_ =	sdelay $0x3  }
0x18: {  	_ =	swait.ge [sflag:s5], $0x100  }
0x19: {  	[sflag:s5] =	ssyncset.done $0x0  }
0x1a: {  	s13 =	simm.s32 $0x0;
	[sflag:s5] =	ssyncadd.s32 $0xFFFFFF00  }
0x1b: {  	v0 =	vld.msk [tilespmem:s13+$0x100 ss:$0x1], $0xffff;
	_ =	sdelay $0x4  }
0x1c: {  	vm2 =	vgt.s32 v0, $0x0  }
0x1d: {  	v0 =	vnsel vm2, $0x0, v0  }
0x1e: {  	v0 =	vmin.u32 v0, $0x1FFF  }
0x1f: {  	v0 =	vshll.u32 v0, $0x4;
	_ =	sdelay $0x3  }
0x20: {  	s13 =	simm.s32 $0x8200  }
0x21: {  	[tilespmem:s13], [sflag:$0x1] =	stream.indirect_vreg.gather [hbm:s3], $0x80, v0, vm0, $0x38;
	[tilespmem:$0x10200] =	vst v63  }
0x22: {  	s14 =	simm.s32 $0x8600;
	s31 =	simm.s32 $0x10  }
0x23: {  	[tilespmem:s14], [sflag:$0x1] =	stream.indirect_vreg.gather [hbm:s3], $0x80, v0, vm1, $0x38;
	[tilespmem:$0x10200] =	vst v63  }
0x24: {  	s14 =	simm.s32 $0x80;
	v0 =	vld.msk [tilespmem:s31+$0x100 ss:$0x1], $0xffff  }
.LBB2_5:
0x25: {  	p0 =	sne.s32 s14, $0x3C0;
	_ =	sdelay $0x4  }
0x26: {  	vm2 =	vgt.s32 v0, $0x0  }
0x27: {  	v0 =	vnsel vm2, $0x0, v0  }
0x28: {  	v0 =	vmin.u32 v0, $0x1FFF  }
0x29: {  	v0 =	vshll.u32 v0, $0x4;
	_ =	sdelay $0x3  }
.Ltmp4:
0x2a: {  	s13 =	sadd.s32 $0x800, s13;
	(pc) =	sbr.rel @p0 .LBB2_5-.Ltmp4, $4  }
0x2b: {  	[tilespmem:s13], [sflag:$0x1] =	stream.indirect_vreg.gather [hbm:s3], $0x80, v0, vm0, $0x38;
	[tilespmem:$0x10200] =	vst v63  }
0x2c: {  	s15 =	sshra.s32 s14, $0x2;
	s16 =	sadd.s32 $0x400, s13  }
0x2d: {  	[tilespmem:s16], [sflag:$0x1] =	stream.indirect_vreg.gather [hbm:s3], $0x80, v0, vm1, $0x38;
	[tilespmem:$0x10200] =	vst v63  }
0x2e: {  	s14 =	sadd.s32 $0x40, s14;
	v0 =	vld.msk [tilespmem:s15+$0x100 ss:$0x1], $0xffff  }
0x2f: {  	_ =	sdelay $0x3  }
0x30: {  	vm2 =	vgt.s32 v0, $0x0  }
0x31: {  	v0 =	vnsel vm2, $0x0, v0  }
0x32: {  	v0 =	vmin.u32 v0, $0x1FFF  }
0x33: {  	v0 =	vshll.u32 v0, $0x4;
	_ =	sdelay $0x3  }
0x34: {  	s13 =	sadd.s32 $0x800, s13  }
0x35: {  	[tilespmem:s13], [sflag:$0x1] =	stream.indirect_vreg.gather [hbm:s3], $0x80, v0, vm0, $0x38;
	[tilespmem:$0x10200] =	vst v63  }
0x36: {  	s13 =	sadd.s32 $0x400, s13  }
0x37: {  	[tilespmem:s13], [sflag:$0x1] =	stream.indirect_vreg.gather [hbm:s3], $0x80, v0, vm1, $0x38;
	[tilespmem:$0x10200] =	vst v63  }
0x38: {  	s12 =	sshll.u32 s12, $0x4;
	s14 =	simm.s32 $0x80;
	_ =	swait.ge [sflag:s4], $0x8000  }
0x39: {  	s15 =	simm.s32 $0x8600;
	s12 =	sadd.s32 s12, s7;
	[sflag:s4] =	ssyncset.done $0x0  }
0x3a: {  	s16 =	sadd.s32 $0x0, s12;
	s13 =	simm.s32 $0x8200;
	[sflag:s4] =	ssyncadd.s32 $0xFFFF8000  }
.LBB2_7:
0x3b: {  	[hbm:s16] =	stream.linear.scatter [tilespmem:s13], [sflag:$0x3], $0x400, $0x38;
	[tilespmem:$0x10200] =	vst v63  }
0x3c: {  	s16 =	smov.u32 s14;
	s13 =	smov.u32 s15;
	p0 =	sne.s32 s14, $0xF80  }
.Ltmp5:
0x3d: {  	s14 =	sadd.s32 $0x80, s14;
	(pc) =	sbr.rel @p0 .LBB2_7-.Ltmp5, $2  }
0x3e: {  	_ =	sdelay $0x2  }
0x3f: {  	s15 =	sadd.s32 $0x400, s15;
	s16 =	sadd.s32 s16, s12  }
.Ltmp6:
0x40: {  	(pc) =	sbr.rel .LBB2_9-.Ltmp6, $2  }
0x41: {  	_ =	sdelay $0x2  }
0x42: {  	[hbm:s16] =	stream.linear.scatter [tilespmem:s13], [sflag:$0x3], $0x400, $0x38;
	[tilespmem:$0x10200] =	vst v63  }
.LBB2_2:
.Ltmp7:
0x43: {  	(pc) =	sbr.rel .LBB2_10-.Ltmp7, $4  }
0x44: {  	_ = 	snop  }
0x45: {  	s12 =	sshrl.u32 s11, $0x3  }
0x46: {  	s13 =	sand.u32 $0x7, s11;
	s12 =	sadd.s32 s2, s12  }
0x47: {  	[tilespmem:s9], [sflag:$0x2] =	stream.linear.gather [hbm4b:s12+s13], $0x100, $0x38;
	[tilespmem:$0x10200] =	vst v63  }
.LBB2_11:
0x48: {  	s2 =	simm.s32 $0x3  }
0x49: {  	_ =	swait.ge [sflag:s2], $0x8000  }
0x4a: {  	[sflag:s2] =	ssyncset.done $0x0  }
0x4b: {  	[sflag:s2] =	ssyncadd.s32 $0xFFFF8000  }
0x4c: {  	_ =	sfence.sel $0x180000  }
0x4d: {  	s3 =	simm.s32 $0x2;
	[bflag:$0x0] =	sbarrier.arrive $0xFFFF  }
0x4e: {  	[sflag:s3] =	ssyncpa.u1 $0x1  }
0x4f: {  	s31 =	simm.s32 $0x1;
	[sflag:s2] =	ssyncpa.u1 $0x1  }
0x50: {  	[sflag:s31] =	ssyncpa.u1 $0x1  }
0x51: {  	p0 =	sne.s32 s1, $0x0;
	_ =	strace $0x90000053  }
0x52: {  	s0 =	sadd.s32 @!p0 $0x100000, s0;
	[bflag:$0x2] =	sbarrier.arrive $0xFFFF  }
0x53: {  	[sflag:s0] =	ssyncadd.tile.s32 @!p0 $0x1;
	_ =	shalt  }
.Lfunc_end2:
_tile_overlayer_lowered:
.L_overlay_start_2:
0x54: {  	(tag) =	ssettag $0x2  }
0x55: {  	s0 =	rddreg [dreg:$0x0];
	s2 =	stileid.u32  }
0x56: {  	s1 =	rddreg [dreg:$0x1];
	p0 =	sne.s32 s2, $0x0  }
0x57: {  	s3 =	rddreg [dreg:$0x2];
	[bflag:$0x3] =	sbarrier.arrive $0xFFFF;
	s2 =	simm.s32 @!p0 $0x1C01  }
0x58: {  	[timem:s3], [sflag:s2] =	dma.local @!p0 [hbm:s0], s1  }
0x59: {  	s0 =	simm.s32 @!p0 $0x1  }
0x5a: {  	_ =	swait.ge @!p0 [sflag:s0], s1  }
0x5b: {  	s1 =	ssub.s32 @!p0 $0x0, s1;
	[sflag:s0] =	ssyncset.done @!p0 $0x0  }
0x5c: {  	[sflag:s0] =	ssyncadd.s32 @!p0 s1  }
0x5d: {  	[bflag:$0x3] =	sbarrier.arrive $0xFFFF  }
0x5e: {  	_ =	shalt  }

// kernel: gather_offload_async_start
scs
__scs_entry_jumppad:
0x0: {  	(pc) =	sbr.rel $0x88, $3  }
0x1: {  	(tag) =	ssettag $0x0;
	lr =	simm.s32 $0x1  }
0x2: {  	[smem:$0x3F9D] =	sst lr;
	_ =	strace $0xD0000000  }
0x3: {  	_ = 	snop  }
0x4: {  	_ = 	snop  }
0x5: {  	_ = 	snop  }
0x6: {  	_ = 	snop  }
0x7: {  	_ = 	snop  }
__scs_overlays_trampoline_lowered:
0x8: {  	[smem:$0x3FAC] =	sst s0  }
0x9: {  	[smem:$0x3FAD] =	sst s1  }
0xa: {  	[smem:$0x3FAE] =	sst s2  }
0xb: {  	[smem:$0x3FAF] =	sst s3  }
0xc: {  	[smem:$0x3FB0] =	sst s4  }
0xd: {  	[smem:$0x3FB1] =	sst s5  }
0xe: {  	[smem:$0x3FB2] =	sst s6  }
0xf: {  	[smem:$0x3FB3] =	sst s7  }
0x10: {  	[smem:$0x3FB4] =	sst s8  }
0x11: {  	[smem:$0x3FB5] =	sst s9;
	s0 =	simm.s32 @!p0 $0x0  }
0x12: {  	s1 =	sld [smem:$0x3F9B];
	s0 =	simm.s32 @p0 $0x1  }
0x13: {  	[smem:$0x3FB6] =	sst s0;
	s0 =	simm.s32 @!p1 $0x0  }
0x14: {  	s2 =	sld [smem:$0x3F9A];
	s0 =	simm.s32 @p1 $0x1  }
0x15: {  	[smem:$0x3FB7] =	sst s0;
	s0 =	simm.s32 @!p2 $0x0  }
0x16: {  	s3 =	sld [smem:$0x3FDB];
	s0 =	simm.s32 @p2 $0x1  }
0x17: {  	s4 =	simm.s32 $0x1BF5;
	[smem:$0x3FB9] =	sst s0  }
0x18: {  	s0 =	sld [smem:$0x3F9C];
	_ =	swait.ge [sflag:s4], $0x0  }
0x19: {  	s7 =	sld [smem:$0x3F9D]  }
0x1a: {  	s8 =	sadd.s32 $0xFFFFE003, lr  }
0x1b: {  	s9 =	sadd.s32 $0xFFFFFEF7, lr;
	s5 =	simm.s32 $0xFFFFFFFF;
	p2 =	slt.u32 s8, $0xFFFFF086  }
0x1c: {  	p1 =	slt.u32 s9, $0xF7A;
	s5 =	simm.s32 @!p2 $0x0  }
0x1d: {  	s5 =	simm.s32 @p1 $0x1;
	p0 =	seq.s32 s7, s2  }
0x1e: {  	s7 =	smul.u32 @!p0 $0xF7A, s2;
	p2 =	seq.s32 @!p0 s5, $0x0  }
0x1f: {  	s9 =	smul.u32 $0xF7A, s1;
	s8 =	simm.s32 @!p0 $0x1BF5;
	p2 =	por !p2, p0  }
0x20: {  	[sflag:s8] =	ssyncset.s32 @!p0 $0xFFFFF086;
	s6 =	sadd.s32 @!p0 s3, s7;
	s7 =	simm.s32 @!p0 $0x108  }
0x21: {  	s3 =	sadd.s32 s3, s9;
	s6 =	sadd.s32 @!p0 $0x88, s6;
	s7 =	simm.s32 @p2 $0x1082  }
0x22: {  	[simem:s7], [sflag:s8] =	dma.local @!p0 [hbm:s6], $0xF7A  }
0x23: {  	s9 =	sor.u32 $0xD0000000, s2;
	s6 =	simm.s32 $0x108;
	_ =	swait.ge @!p0 [sflag:s8], $0x0  }
0x24: {  	s3 =	sadd.s32 $0x88, s3;
	s6 =	simm.s32 @!p1 $0x1082;
	[sflag:s4] =	ssyncset.s32 $0xFFFFF086  }
0x25: {  	[simem:s6], [sflag:s4] =	dma.local [hbm:s3], $0xF7A  }
0x26: {  	[smem:$0x3F9D] =	sst s1;
	(tag) =	ssettag s2;
	_ =	strace s9  }
0x27: {  	s1 =	sld [smem:$0x3FAD]  }
0x28: {  	s2 =	sld [smem:$0x3FAE]  }
0x29: {  	s4 =	sld [smem:$0x3FB0]  }
0x2a: {  	p0 =	seq.s32 s5, $0x0;
	s5 =	sld [smem:$0x3FB1]  }
0x2b: {  	s6 =	sld [smem:$0x3FB2]  }
0x2c: {  	s7 =	sld [smem:$0x3FB3]  }
0x2d: {  	s3 =	simm.s32 $0x108;
	s8 =	sld [smem:$0x3FB4]  }
0x2e: {  	s3 =	simm.s32 @!p0 $0x1082;
	s9 =	sld [smem:$0x3FB5]  }
0x2f: {  	lr =	sadd.s32 s0, s3;
	s0 =	sld [smem:$0x3FAC]  }
0x30: {  	s3 =	sld [smem:$0x3FAF]  }
0x31: {  	[smem:$0x3FB8] =	sst s10  }
0x32: {  	s10 =	sld [smem:$0x3FB6];
	_ =	sdelay $0x3  }
0x33: {  	p0 =	seq.s32 s10, $0x1;
	s10 =	sld [smem:$0x3FB8];
	_ =	sdelay $0x3  }
0x34: {  	[smem:$0x3FB8] =	sst s10  }
0x35: {  	s10 =	sld [smem:$0x3FB7];
	_ =	sdelay $0x3  }
0x36: {  	p1 =	seq.s32 s10, $0x1;
	s10 =	sld [smem:$0x3FB8];
	_ =	sdelay $0x3  }
0x37: {  	[smem:$0x3FB8] =	sst s10  }
0x38: {  	s10 =	sld [smem:$0x3FB9]  }
0x39: {  	_ = 	snop;
	(pc) =	sbr.ind lr, $3  }
0x3a: {  	_ = 	snop  }
0x3b: {  	_ = 	snop  }
0x3c: {  	p2 =	seq.s32 s10, $0x1;
	s10 =	sld [smem:$0x3FB8]  }
0x3d: {  	_ =	shalt  }
0x3e: {  	_ =	shalt  }
0x3f: {  	_ =	shalt  }
0x40: {  	_ =	shalt  }
0x41: {  	_ =	shalt  }
0x42: {  	_ =	shalt  }
0x43: {  	_ =	shalt  }
0x44: {  	_ =	shalt  }
0x45: {  	_ =	shalt  }
0x46: {  	_ =	shalt  }
0x47: {  	_ =	shalt  }
0x48: {  	_ =	shalt  }
0x49: {  	_ =	shalt  }
0x4a: {  	_ =	shalt  }
0x4b: {  	_ =	shalt  }
0x4c: {  	_ =	shalt  }
0x4d: {  	_ =	shalt  }
0x4e: {  	_ =	shalt  }
0x4f: {  	_ =	shalt  }
0x50: {  	_ =	shalt  }
0x51: {  	_ =	shalt  }
0x52: {  	_ =	shalt  }
0x53: {  	_ =	shalt  }
0x54: {  	_ =	shalt  }
0x55: {  	_ =	shalt  }
0x56: {  	_ =	shalt  }
0x57: {  	_ =	shalt  }
0x58: {  	_ =	shalt  }
0x59: {  	_ =	shalt  }
0x5a: {  	_ =	shalt  }
0x5b: {  	_ =	shalt  }
0x5c: {  	_ =	shalt  }
0x5d: {  	_ =	shalt  }
0x5e: {  	_ =	shalt  }
0x5f: {  	_ =	shalt  }
0x60: {  	_ =	shalt  }
0x61: {  	_ =	shalt  }
0x62: {  	_ =	shalt  }
0x63: {  	_ =	shalt  }
0x64: {  	_ =	shalt  }
0x65: {  	_ =	shalt  }
0x66: {  	_ =	shalt  }
0x67: {  	_ =	shalt  }
0x68: {  	_ =	shalt  }
0x69: {  	_ =	shalt  }
0x6a: {  	_ =	shalt  }
0x6b: {  	_ =	shalt  }
0x6c: {  	_ =	shalt  }
0x6d: {  	_ =	shalt  }
0x6e: {  	_ =	shalt  }
0x6f: {  	_ =	shalt  }
0x70: {  	_ =	shalt  }
0x71: {  	_ =	shalt  }
0x72: {  	_ =	shalt  }
0x73: {  	_ =	shalt  }
0x74: {  	_ =	shalt  }
0x75: {  	_ =	shalt  }
0x76: {  	_ =	shalt  }
0x77: {  	_ =	shalt  }
0x78: {  	_ =	shalt  }
0x79: {  	_ =	shalt  }
0x7a: {  	_ =	shalt  }
0x7b: {  	_ =	shalt  }
0x7c: {  	_ =	shalt  }
0x7d: {  	_ =	shalt  }
0x7e: {  	_ =	shalt  }
0x7f: {  	_ =	shalt  }
0x80: {  	_ =	shalt  }
0x81: {  	_ =	shalt  }
0x82: {  	_ =	shalt  }
0x83: {  	_ =	shalt  }
0x84: {  	_ =	shalt  }
0x85: {  	_ =	shalt  }
0x86: {  	_ =	shalt  }
0x87: {  	_ =	shalt  }
.Lfunc_end0:
.L_simem_size_0:
called_computation_lowered:
.L_overlay_start_0:
0x88: {  	s2 =	sld [smem:$0x3FD9]  }
0x89: {  	s3 =	sld [smem:$0x3FFE];
	_ =	sdelay $0x1  }
0x8a: {  	s1 =	srdreg.scid  }
0x8b: {  	s0 =	sand.u32 $0x1, s1  }
0x8c: {  	s14 =	sshll.u32 s0, $0xA;
	s2 =	sadd.s32 s3, s2  }
0x8d: {  	s2 =	sadd.s32 s2, s14  }
0x8e: {  	[smem:$0x3FC4] =	sst s2  }
0x8f: {  	_ = 	snop  }
0x90: {  	s2 =	sld [smem:$0x3FD0];
	_ =	sdelay $0x3  }
0x91: {  	s15 =	simm.s32 $0xA;
	s4 =	simm.s32 $0x10;
	s2 =	sadd.s32 $0x1, s2  }
0x92: {  	[smem:s4], [sflag:s15] =	dma.local [hbm:s2], $0x1  }
0x93: {  	_ =	swait.eq [sflag:s15], $0x1  }
0x94: {  	[sflag:s15] =	ssyncset.done $0x0  }
0x95: {  	[sflag:s15] =	ssyncadd.s32 $0xFFFFFFFF  }
0x96: {  	s16 =	sld [smem:$0x10];
	(tm) =	ssettm $0x1  }
0x97: {  	s17 =	sld [smem:$0x3FFB];
	_ =	sdelay $0x3  }
0x98: {  	_ =	strace s17  }
0x99: {  	s3 =	sld [smem:$0x3FFC];
	_ =	sdelay $0x3  }
0x9a: {  	_ =	strace s3  }
0x9b: {  	s3 =	sld [smem:$0x3FFD];
	_ =	sdelay $0x3  }
0x9c: {  	_ =	strace s3  }
0x9d: {  	_ =	strace $0x8FFFFFFF  }
0x9e: {  	s18 =	sld [smem:$0x3FDB];
	_ =	sdelay $0x1  }
0x9f: {  	s19 =	simm.s32 $_scs_section_size  }
0xa0: {  	s5 =	simm.s32 $_size__tile_overlayer_lowered;
	s6 =	simm.s32 $_tile_overlayer_lowered  }
0xa1: {  	s22 =	simm.s32 $0x1BFF;
	s21 =	sshll.u32 s6, $0x1;
	s3 =	sadd.s32 s19, s18  }
0xa2: {  	s7 =	simm.s32 $0x0;
	s20 =	sshll.u32 s5, $0x1;
	s5 =	sadd.s32 s21, s3  }
0xa3: {  	[timem:s7], [sflag:s22] =	dma.local [hbm:s5], s20  }
0xa4: {  	_ =	swait.ge [sflag:s22], s20  }
0xa5: {  	s4 =	ssub.s32 $0x0, s20;
	[sflag:s22] =	ssyncset.done $0x0  }
0xa6: {  	[sflag:s22] =	ssyncadd.s32 s4;
	_ =	sdelay $0x1  }
0xa7: {  	s23 =	simm.s32 $0x1B8B  }
0xa8: {  	_ =	swait.ge [sflag:s23], $0x1  }
0xa9: {  	[sflag:s23] =	ssyncset.done $0x0  }
0xaa: {  	s25 =	simm.s32 $0x1B8E;
	s24 =	sld [smem:$0x3FFE];
	[sflag:s23] =	ssyncadd.s32 $0xFFFFFFFF  }
0xab: {  	s26 =	simm.s32 $execute0_lowered;
	[smem:$0x3FD2] =	sst s25  }
0xac: {  	s5 =	sshll.u32 s26, $0x1;
	_ =	strace $0x80000046;
	[dreg:$0x1] =	wrdreg $0xFFFFFFFF  }
0xad: {  	s28 =	simm.s32 $_size_execute0_lowered;
	s3 =	sadd.s32 s3, s5;
	[dreg:$0x0] =	wrdreg $0x0  }
0xae: {  	s5 =	sshll.u32 s28, $0x1;
	[dreg:$0x2] =	wrdreg s3  }
0xaf: {  	[dreg:$0x3] =	wrdreg s5  }
0xb0: {  	[dreg:$0x4] =	wrdreg $0xC0  }
0xb1: {  	_ =	task [dreg:s7], $0x5FFFF  }
0xb2: {  	[dreg:$0x1] =	wrdreg $0xFFFFFFFF  }
0xb3: {  	[dreg:$0x0] =	wrdreg $0x60  }
0xb4: {  	[dreg:$0x2] =	wrdreg s24  }
0xb5: {  	[dreg:$0x3] =	wrdreg s16  }
0xb6: {  	[dreg:$0x4] =	wrdreg $0x9  }
0xb7: {  	_ =	task.clear_ibuf [dreg:s7], $0x5FFFF;
	_ =	strace $0x90000046  }
0xb8: {  	s29 =	simm.s32 $0x9;
	_ =	strace $0x80000048  }
0xb9: {  	_ =	swait.ge [sflag:s29], $0x1  }
0xba: {  	[sflag:s29] =	ssyncadd.s32 $0xFFFFFFFF  }
0xbb: {  	_ =	strace $0x90000048  }
0xbc: {  	_ =	sfence  }
0xbd: {  	s30 =	sld [smem:$0x0];
	_ =	sdelay $0x2  }
0xbe: {  	s31 =	sshll.u32 s1, $0xD;
	s1 =	sshrl.u32 s1, $0x2  }
0xbf: {  	s3 =	sand.u32 $0x4000, s31;
	s1 =	sadd.s32 s1, s30  }
0xc0: {  	s0 =	sor.u32 s3, s0;
	s1 =	sshll.u32 s1, $0x11  }
0xc1: {  	s0 =	sor.u32 s1, s0  }
0xc2: {  	s0 =	sadd.s32 $0x8F2B, s0  }
0xc3: {  	[sflag:s0] =	ssyncadd.remote.s32 $0x1  }
0xc4: {  	_ =	sfence.sel $0xFFFF  }
0xc5: {  	[dreg:$0x0] =	wrdreg $0xFFFFFFFF;
	(pc) =	sbr.abs _section_cstart, $3  }
0xc6: {  	[dreg:$0x1] =	wrdreg $0xFFFFFFFF  }
0xc7: {  	_ =	task.clear_ibuf [dreg:s7], $0x2FFFF;
	_ =	strace $0x9FFFFFFF  }
0xc8: {  	(tm) =	ssettm $0x7FFFFFFF  }
0xc9: {  	_ =	shalt  }
tec
execute0_lowered:
.L_overlay_start_1:
0x0: {  	(tag) =	ssettag $0x1  }
0x1: {  	s0 =	srdreg.scid  }
0x2: {  	s1 =	sshll.u32 s0, $0x4  }
0x3: {  	s0 =	stileid.u32;
	s1 =	sand.u32 $0x10, s1  }
0x4: {  	s9 =	rddreg [dreg:$0x0];
	s1 =	sor.u32 s0, s1  }
0x5: {  	s3 =	rddreg [dreg:$0x1];
	s2 =	smin.u32 s1, $0x4  }
0x6: {  	p0 =	slt.u32 s1, $0x4;
	s2 =	sadd.s32 s1, s2;
	s1 =	simm.s32 $0x40  }
0x7: {  	s6 =	simm.s32 $0x1;
	s2 =	sshll.u32 s2, $0x5;
	s1 =	simm.s32 @!p0 $0x20  }
0x8: {  	s7 =	simm.s32 $0x2;
	s10 =	simm.s32 $0x3;
	s4 =	sadd.s32 s1, s2  }
0x9: {  	s13 =	simm.s32 $0x0;
	s12 =	simm.s32 $0x0;
	s4 =	smin.u32 s4, $0x480  }
.Ltmp0:
0xa: {  	s5 =	sadd.s32 $0xE00, s9;
	s8 =	ssub.s32 s4, s2;
	(pc) =	sbr.rel .LBB2_1-.Ltmp0, $4  }
0xb: {  	s1 =	rddreg [dreg:$0x2];
	_ =	strace $0x80000047;
	p0 =	sgt.s32 s8, $0x0  }
0xc: {  	s9 =	sadd.s32 $0x40E00, s9;
	[sflag:s6] =	ssyncpa.u1 $0x0;
	s8 =	simm.s32 @!p0 $0x0  }
0xd: {  	s11 =	smov.u32 s2;
	[sflag:s7] =	ssyncpa.u1 $0x0;
	s8 =	sshrl.u32 s8, $0x5  }
0xe: {  	vm0 =	vmmov $0xff;
	vm1 =	vcmask $0x3F20;
	[sflag:s10] =	ssyncpa.u1 $0x0;
	p0 =	por $0x0, $0x0;
	s10 =	sadd.s32 $0x1, s8  }
.LBB2_6:
0xf: {  	[hbm:s17] =	stream.linear.scatter [tilespmem:s14], [sflag:$0x3], $0x400, $0x38;
	[tilespmem:$0x2040] =	vst v63  }
.LBB2_7:
0x10: {  	s13 =	sadd.s32 $0x20, s11  }
0x11: {  	s15 =	smov.u32 s2;
	p2 =	slt.s32 s13, s4  }
0x12: {  	s15 =	smov.u32 @p2 s13;
	p2 =	sne.s32 s12, s10  }
.Ltmp1:
0x13: {  	p1 =	slt.u32 s12, $0x2;
	(pc) =	sbr.rel @!p2 .LBB2_8-.Ltmp1, $4  }
0x14: {  	s14 =	simm.s32 @!p1 $0x3  }
0x15: {  	s16 =	sadd.s32 $0x1, s12;
	_ =	swait.ge @!p1 [sflag:s14], $0x1000  }
0x16: {  	p0 =	por !p0, !p0;
	s13 =	smov.u32 s11;
	[sflag:s14] =	ssyncset.done @!p1 $0x0  }
0x17: {  	s12 =	smov.u32 s16;
	s11 =	smov.u32 s15;
	[sflag:s14] =	ssyncadd.s32 @!p1 $0xFFFFF000  }
.LBB2_1:
0x18: {  	p1 =	sge.u32 s12, s8  }
0x19: {  	s14 =	sxor.u32 @!p1 $0xFFFFFFFF, s12  }
0x1a: {  	s31 =	sadd.s32 $0xFFFFFFFF, s12;
	s15 =	sshrl.u32 @!p1 s11, $0x3;
	s14 =	sshll.u32 @!p1 s14, $0x5  }
0x1b: {  	s16 =	sand.u32 @!p1 $0x7, s11;
	s15 =	sadd.s32 @!p1 s3, s15;
	s14 =	sand.u32 @!p1 $0x20, s14  }
0x1c: {  	[tilespmem:s14], [sflag:$0x2] =	stream.linear.gather @!p1 [hbm4b:s15+s16], $0x20, $0x38;
	[tilespmem:$0x2040] =	vst v63  }
0x1d: {  	p1 =	sge.u32 s31, s8  }
.Ltmp2:
0x1e: {  	_ = 	snop;
	(pc) =	sbr.rel @p1 .LBB2_7-.Ltmp2, $1  }
0x1f: {  	_ =	sdelay $0x3  }
0x20: {  	s14 =	simm.s32 $0x1  }
0x21: {  	_ =	swait.ge [sflag:s7], $0x20;
	s16 =	sand.u32 $0x1, s12;
	s17 =	simm.s32 $0x0  }
0x22: {  	p1 =	por $0x1, $0x1;
	s14 =	simm.s32 @!p0 $0x0;
	[sflag:s7] =	ssyncset.done $0x0  }
0x23: {  	s15 =	sshll.u32 s16, $0x5;
	s16 =	sshll.u32 s16, $0xC;
	s14 =	sshll.u32 s14, $0xC  }
0x24: {  	[sflag:s7] =	ssyncadd.s32 $0xFFFFFFE0;
	s16 =	sor.u32 $0x40, s16;
	s14 =	sor.u32 $0x40, s14  }
.LBB2_3:
0x25: {  	s18 =	sshll.u32 s17, $0x4  }
0x26: {  	s18 =	sand.u32 $0x3FFFFFF0, s18  }
0x27: {  	s18 =	sadd.s32 s18, s15  }
0x28: {  	v0 =	vld.msk [tilespmem:s18+$0x0 ss:$0x1], $0xffff;
	_ =	sdelay $0x4  }
0x29: {  	vm2 =	vgt.s32 v0, $0x0  }
0x2a: {  	v0 =	vnsel vm2, $0x0, v0  }
0x2b: {  	v0 =	vmin.u32 v0, $0x1FFF  }
0x2c: {  	v0 =	vshll.u32 v0, $0x4;
	_ =	sdelay $0x1  }
0x2d: {  	s31 =	sshll.u32 s17, $0xB  }
0x2e: {  	p2 =	por p1, p1;
	s17 =	sand.u32 $0x3FFFF800, s31  }
.Ltmp3:
0x2f: {  	s17 =	sadd.s32 s17, s16;
	(pc) =	sbr.rel @p2 .LBB2_3-.Ltmp3, $4  }
0x30: {  	[tilespmem:s17], [sflag:$0x1] =	stream.indirect_vreg.gather [hbm:s5], $0x80, v0, vm0, $0x38;
	[tilespmem:$0x2040] =	vst v63  }
0x31: {  	s17 =	sadd.s32 $0x400, s17  }
0x32: {  	[tilespmem:s17], [sflag:$0x1] =	stream.indirect_vreg.gather [hbm:s5], $0x80, v0, vm1, $0x38;
	[tilespmem:$0x2040] =	vst v63  }
0x33: {  	p1 =	por $0x0, $0x0;
	s17 =	simm.s32 $0x1  }
0x34: {  	_ =	swait.ge [sflag:s6], $0x1000;
	s13 =	sshll.u32 s13, $0x4  }
0x35: {  	s15 =	simm.s32 $0x80;
	[sflag:s6] =	ssyncset.done $0x0;
	s13 =	sadd.s32 s13, s9  }
0x36: {  	s16 =	sadd.s32 $0x400, s14;
	[sflag:s6] =	ssyncadd.s32 $0xFFFFF000;
	s17 =	sadd.s32 $0x0, s13  }
.LBB2_5:
0x37: {  	[hbm:s17] =	stream.linear.scatter [tilespmem:s14], [sflag:$0x3], $0x400, $0x38;
	[tilespmem:$0x2040] =	vst v63  }
0x38: {  	s17 =	smov.u32 s15;
	s14 =	smov.u32 s16;
	p1 =	sne.s32 s15, $0x180  }
.Ltmp4:
0x39: {  	s15 =	sadd.s32 $0x80, s15;
	(pc) =	sbr.rel @p1 .LBB2_5-.Ltmp4, $2  }
0x3a: {  	_ =	sdelay $0x2  }
0x3b: {  	s16 =	sadd.s32 $0x400, s16;
	s17 =	sadd.s32 s17, s13  }
.Ltmp5:
0x3c: {  	_ = 	snop;
	(pc) =	sbr.rel .LBB2_6-.Ltmp5, $1  }
0x3d: {  	_ =	sdelay $0x3  }
.LBB2_8:
0x3e: {  	_ =	sfence.sel $0x180000  }
0x3f: {  	s2 =	simm.s32 $0x2;
	[bflag:$0x0] =	sbarrier.arrive $0xFFFF  }
0x40: {  	s30 =	simm.s32 $0x3;
	[sflag:s2] =	ssyncpa.u1 $0x1  }
0x41: {  	s31 =	simm.s32 $0x1;
	[sflag:s30] =	ssyncpa.u1 $0x1  }
0x42: {  	[sflag:s31] =	ssyncpa.u1 $0x1  }
0x43: {  	p0 =	sne.s32 s0, $0x0;
	_ =	strace $0x90000047  }
0x44: {  	s0 =	sadd.s32 @!p0 $0x100000, s1;
	[bflag:$0x2] =	sbarrier.arrive $0xFFFF  }
0x45: {  	[sflag:s0] =	ssyncadd.tile.s32 @!p0 $0x1;
	_ =	shalt  }
.Lfunc_end2:
_tile_overlayer_lowered:
.L_overlay_start_2:
0x46: {  	(tag) =	ssettag $0x2  }
0x47: {  	s0 =	rddreg [dreg:$0x0];
	s2 =	stileid.u32  }
0x48: {  	s1 =	rddreg [dreg:$0x1];
	p0 =	sne.s32 s2, $0x0  }
0x49: {  	s3 =	rddreg [dreg:$0x2];
	[bflag:$0x3] =	sbarrier.arrive $0xFFFF;
	s2 =	simm.s32 @!p0 $0x1C01  }
0x4a: {  	[timem:s3], [sflag:s2] =	dma.local @!p0 [hbm:s0], s1  }
0x4b: {  	s0 =	simm.s32 @!p0 $0x1  }
0x4c: {  	_ =	swait.ge @!p0 [sflag:s0], s1  }
0x4d: {  	s1 =	ssub.s32 @!p0 $0x0, s1;
	[sflag:s0] =	ssyncset.done @!p0 $0x0  }
0x4e: {  	[sflag:s0] =	ssyncadd.s32 @!p0 s1  }
0x4f: {  	[bflag:$0x3] =	sbarrier.arrive $0xFFFF  }
0x50: {  	_ =	shalt  }

</sc_bundles>
